<compile_context>
chip_gen: v7x
topology: tpu7x:2x2x1
jax: 0.10.2.dev20260603
libtpu: 0.0.44.dev20260713+nightly
codegen_flags: <defaults>
</compile_context>

<pallas_src>
import functools

import jax
import jax.numpy as jnp
from jax import lax
from jax.experimental import pallas as pl
from jax.experimental.pallas import tpu as pltpu, tpu_sc as plsc

N = 8192
K = 8
NOFF = 27
CH = 128
EPS = 1e-5
ROWS = 128
MROWS = 256
NW = 32
CHUNK = 256


def _knn_kernel(pt_ref, idx_ref):
    i = pl.program_id(0)
    p_all = pt_ref[0:3, :]
    p_blk = pt_ref[0:3, pl.ds(i * ROWS, ROWS)]
    x2a = p_all[0:1, :] * p_all[0:1, :]
    y2a = p_all[1:2, :] * p_all[1:2, :]
    z2a = p_all[2:3, :] * p_all[2:3, :]
    sq_all = (x2a + z2a) + y2a
    x2b = p_blk[0:1, :] * p_blk[0:1, :]
    y2b = p_blk[1:2, :] * p_blk[1:2, :]
    z2b = p_blk[2:3, :] * p_blk[2:3, :]
    sq_blk = (x2b + z2b) + y2b
    dot = jax.lax.dot_general(
        p_blk, p_all, (((0,), (0,)), ((), ())),
        preferred_element_type=jnp.float32)
    d2 = (jnp.transpose(sq_blk) + sq_all) - 2.0 * dot
    jidx = jax.lax.broadcasted_iota(jnp.int32, (ROWS, N), 1)
    big = jnp.int32(2**30)

    selfcol = jax.lax.broadcasted_iota(jnp.int32, (ROWS, 1), 0) + i * ROWS
    cols = [selfcol]
    d2w = d2
    for _ in range(K):
        m = jnp.min(d2w, axis=1, keepdims=True)
        am = jnp.min(jnp.where(d2w == m, jidx, big), axis=1, keepdims=True)
        cols.append(am)
        d2w = jnp.where(jidx == am, jnp.float32(jnp.inf), d2w)
    cols.append(jnp.zeros((ROWS, 16 - K - 1), jnp.int32))
    idx_ref[...] = jnp.concatenate(cols, axis=1)


def _knn_pallas(coords):
    b = coords[:, 0].astype(jnp.float32)
    xyz = coords[:, 1:].astype(jnp.float32)
    p = xyz + b[:, None] * 1e4
    pt = jnp.zeros((8, N), jnp.float32).at[0:3, :].set(p.T)
    return pl.pallas_call(
        _knn_kernel,
        grid=(N // ROWS,),
        in_specs=[pl.BlockSpec((8, N), lambda i: (0, 0))],
        out_specs=pl.BlockSpec((ROWS, 16), lambda i: (i, 0)),
        out_shape=jax.ShapeDtypeStruct((N, 16), jnp.int32),
    )(pt)


NB = 64
CAP = 256


def _pos_kernel(ci_ref, pos_ref, cp_ref):
    b = ci_ref[0:1, :]
    brow = jax.lax.broadcasted_iota(jnp.int32, (NB, 1), 0)
    oh = (b == brow).astype(jnp.float32)
    cum = oh
    sh = 1
    while sh < N:
        cum = cum + jnp.concatenate(
            [jnp.zeros((NB, sh), jnp.float32), cum[:, :N - sh]], axis=1)
        sh *= 2
    rank = jnp.sum(oh * cum, axis=0, keepdims=True) - 1.0
    pos_ref[...] = (b * CAP) + rank.astype(jnp.int32)
    cxyz = ci_ref[1:4, :].astype(jnp.float32)
    orig = jax.lax.broadcasted_iota(jnp.int32, (1, N), 1).astype(jnp.float32)
    zero = jnp.zeros((124, N), jnp.float32)
    cp_ref[...] = jnp.transpose(jnp.concatenate([cxyz, orig, zero], axis=0))


def _pos_cp(coords):
    ci = jnp.zeros((8, N), jnp.int32)
    ci = ci.at[0, :].set(coords[:, 0])
    ci = ci.at[1:4, :].set(coords[:, 1:].T + 1)
    return pl.pallas_call(
        _pos_kernel,
        grid=(1,),
        in_specs=[pl.BlockSpec((8, N), lambda i: (0, 0))],
        out_specs=[pl.BlockSpec((1, N), lambda i: (0, 0)),
                   pl.BlockSpec((N, 128), lambda i: (0, 0))],
        out_shape=[jax.ShapeDtypeStruct((1, N), jnp.int32),
                   jax.ShapeDtypeStruct((N, 128), jnp.float32)],
    )(ci)


def _conv_match_kernel(ccp_ref, mem_ref, combo_ref):
    cp = ccp_ref[0]
    mm = mem_ref[0, 0:1, :] + mem_ref[0, 1:2, :] - 1
    valid_j = mm >= 0
    orig_j = cp[:, 3:4].astype(jnp.int32)
    jorig = jnp.transpose(orig_j)
    jorigB = jorig + jnp.zeros((CAP, 1), jnp.int32)
    big = jnp.int32(2**30)
    cx_i = cp[:, 0:1]
    cy_i = cp[:, 1:2]
    cz_i = cp[:, 2:3]
    dx = jnp.transpose(cx_i) - cx_i
    dy = jnp.transpose(cy_i) - cy_i
    dz = jnp.transpose(cz_i) - cz_i
    onef = jnp.float32(1.0)
    okd = ((jnp.abs(dx) <= onef) & (jnp.abs(dy) <= onef)
           & (jnp.abs(dz) <= onef) & valid_j)
    code = (dx + 1.0) * 9.0 + (dy + 1.0) * 3.0 + (dz + 1.0)
    ncols = []
    for k in range(NOFF):
        cond = okd & (code == jnp.float32(k))
        ncols.append(jnp.min(jnp.where(cond, jorigB, big), axis=1,
                             keepdims=True))
    ncols.append(jnp.full((CAP, 32 - NOFF), big, jnp.int32))
    nbr = jnp.concatenate(ncols, axis=1)
    mskv = nbr < jnp.int32(N)
    nbr = jnp.where(mskv, nbr, orig_j)
    combo_ref[...] = jnp.concatenate(
        [nbr, mskv.astype(jnp.int32), jnp.zeros((CAP, 64), jnp.int32)],
        axis=1)


def _conv_match(ccp, mem2):
    return pl.pallas_call(
        _conv_match_kernel,
        grid=(NB,),
        in_specs=[pl.BlockSpec((1, CAP, 128), lambda i: (i, 0, 0)),
                  pl.BlockSpec((1, 2, CAP), lambda i: (i, 0, 0))],
        out_specs=pl.BlockSpec((CAP, 128), lambda i: (i, 0)),
        out_shape=jax.ShapeDtypeStruct((NB * CAP, 128), jnp.int32),
    )(ccp.reshape(NB, CAP, 128), mem2.reshape(2, NB, CAP).transpose(1, 0, 2))


def _sc_gather(table, idx_flat):
    B = idx_flat.shape[0]
    D = table.shape[1]
    dt = table.dtype
    b_per_w = B // NW
    n_chunks = b_per_w // CHUNK
    mesh = plsc.VectorSubcoreMesh(core_axis_name="c", subcore_axis_name="s")

    @functools.partial(
        pl.kernel, mesh=mesh,
        out_type=jax.ShapeDtypeStruct((B, D), dt),
        scratch_types=[
            pltpu.VMEM((CHUNK,), jnp.int32),
            pltpu.VMEM((CHUNK, D), dt),
            pltpu.SemaphoreType.DMA,
        ],
    )
    def gather_k(table_hbm, idx_hbm, out_hbm, idx_v, rows_v, sem):
        wid = lax.axis_index("s") * 2 + lax.axis_index("c")
        base = wid * b_per_w

        def body(ci, carry):
            off = base + ci * CHUNK
            pltpu.sync_copy(idx_hbm.at[pl.ds(off, CHUNK)], idx_v)
            pltpu.async_copy(table_hbm.at[idx_v], rows_v, sem).wait()
            pltpu.sync_copy(rows_v, out_hbm.at[pl.ds(off, CHUNK)])
            return carry

        lax.fori_loop(0, n_chunks, body, 0)

    return gather_k(table, idx_flat)


def _mlp1_kernel(g9_ref, W1_ref, b1_ref, hpre_ref, stat_ref):
    i = pl.program_id(0)
    x = g9_ref[...]
    hp = jnp.dot(x, W1_ref[...], preferred_element_type=jnp.float32)
    hp = hp + b1_ref[...]
    hpre_ref[...] = hp
    s = jnp.concatenate([
        jnp.sum(hp, axis=0, keepdims=True),
        jnp.sum(hp * hp, axis=0, keepdims=True),
        jnp.zeros((6, CH), jnp.float32)], axis=0)

    @pl.when(i == 0)
    def _():
        stat_ref[...] = jnp.zeros_like(stat_ref)

    stat_ref[...] += s


def _mlp1(g9, W1, b1):
    return pl.pallas_call(
        _mlp1_kernel,
        grid=(N // MROWS,),
        in_specs=[pl.BlockSpec((MROWS, (K + 1) * CH), lambda i: (i, 0)),
                  pl.BlockSpec(((K + 1) * CH, CH), lambda i: (0, 0)),
                  pl.BlockSpec((1, CH), lambda i: (0, 0))],
        out_specs=[pl.BlockSpec((MROWS, CH), lambda i: (i, 0)),
                   pl.BlockSpec((8, CH), lambda i: (0, 0))],
        out_shape=[jax.ShapeDtypeStruct((N, CH), jnp.float32),
                   jax.ShapeDtypeStruct((8, CH), jnp.float32)],
    )(g9, W1, b1.reshape(1, CH))


def _conv_kernel(gh_ref, msk_ref, W2_ref, b2_ref, s1_ref, g1_ref, be1_ref,
                 conv_ref, s2_ref, acc_ref):
    i = pl.program_id(0)
    k = pl.program_id(1)
    s1 = s1_ref[...]
    mean = s1[0:1, :] / N
    var = jnp.maximum(s1[1:2, :] / N - mean * mean, 0.0)
    scale = g1_ref[...] * jax.lax.rsqrt(var + EPS)
    shift = be1_ref[...] - mean * scale

    g = gh_ref[0]
    h = jnp.maximum(g * scale + shift, 0.0)
    m = msk_ref[0, 0, :]
    h = h * m[:, None]
    contrib = jnp.dot(h, W2_ref[0], preferred_element_type=jnp.float32)

    @pl.when(k == 0)
    def _():
        acc_ref[...] = b2_ref[...] + jnp.zeros((MROWS, CH), jnp.float32)

    acc_ref[...] += contrib

    @pl.when(k == NOFF - 1)
    def _():
        c = acc_ref[...]
        conv_ref[...] = c
        s = jnp.concatenate([
            jnp.sum(c, axis=0, keepdims=True),
            jnp.sum(c * c, axis=0, keepdims=True),
            jnp.zeros((6, CH), jnp.float32)], axis=0)

        @pl.when(i == 0)
        def _():
            s2_ref[...] = jnp.zeros_like(s2_ref)

        s2_ref[...] += s


def _conv(gh, msk_t, W2, b2, s1, g1, be1):
    return pl.pallas_call(
        _conv_kernel,
        grid=(N // MROWS, NOFF),
        in_specs=[pl.BlockSpec((1, MROWS, CH), lambda i, k: (k, i, 0)),
                  pl.BlockSpec((1, 1, MROWS), lambda i, k: (k, 0, i)),
                  pl.BlockSpec((1, CH, CH), lambda i, k: (k, 0, 0)),
                  pl.BlockSpec((1, CH), lambda i, k: (0, 0)),
                  pl.BlockSpec((8, CH), lambda i, k: (0, 0)),
                  pl.BlockSpec((1, CH), lambda i, k: (0, 0)),
                  pl.BlockSpec((1, CH), lambda i, k: (0, 0))],
        out_specs=[pl.BlockSpec((MROWS, CH), lambda i, k: (i, 0)),
                   pl.BlockSpec((8, CH), lambda i, k: (0, 0))],
        out_shape=[jax.ShapeDtypeStruct((N, CH), jnp.float32),
                   jax.ShapeDtypeStruct((8, CH), jnp.float32)],
        scratch_shapes=[pltpu.VMEM((MROWS, CH), jnp.float32)],
    )(gh, msk_t, W2, b2.reshape(1, CH), s1, g1.reshape(1, CH),
      be1.reshape(1, CH))


def _final_kernel(conv_ref, s2_ref, g2_ref, be2_ref, W3_ref, b3_ref, out_ref):
    s2 = s2_ref[...]
    mean = s2[0:1, :] / N
    var = jnp.maximum(s2[1:2, :] / N - mean * mean, 0.0)
    scale = g2_ref[...] * jax.lax.rsqrt(var + EPS)
    shift = be2_ref[...] - mean * scale
    h2 = jnp.maximum(conv_ref[...] * scale + shift, 0.0)
    out_ref[...] = jnp.dot(h2, W3_ref[...],
                           preferred_element_type=jnp.float32) + b3_ref[...]


def _final(conv, s2, g2, be2, W3, b3):
    OUT = W3.shape[1]
    return pl.pallas_call(
        _final_kernel,
        grid=(N // MROWS,),
        in_specs=[pl.BlockSpec((MROWS, CH), lambda i: (i, 0)),
                  pl.BlockSpec((8, CH), lambda i: (0, 0)),
                  pl.BlockSpec((1, CH), lambda i: (0, 0)),
                  pl.BlockSpec((1, CH), lambda i: (0, 0)),
                  pl.BlockSpec((CH, OUT), lambda i: (0, 0)),
                  pl.BlockSpec((1, OUT), lambda i: (0, 0))],
        out_specs=pl.BlockSpec((MROWS, OUT), lambda i: (i, 0)),
        out_shape=jax.ShapeDtypeStruct((N, OUT), jnp.float32),
    )(conv, s2, g2.reshape(1, CH), be2.reshape(1, CH), W3,
      b3.reshape(1, OUT))


def kernel(feats, coords, W1, b1, g1, beta1, W2, b2, g2, beta2, W3, b3):
    idx9 = _knn_pallas(coords)
    pos, cp = _pos_cp(coords)
    pos = pos.reshape(N)
    members = jnp.full((NB * CAP,), 0, jnp.int32).at[pos].set(
        jnp.arange(1, N + 1, dtype=jnp.int32))
    ccp = _sc_gather(cp, jnp.maximum(members - 1, 0))
    mem2 = jnp.stack([members, jnp.zeros_like(members)])
    combo_s = _conv_match(ccp, mem2)
    combo = _sc_gather(combo_s, pos)
    nbr = combo[:, :32]
    msk = combo[:, 32:64].astype(jnp.float32)
    g9 = _sc_gather(feats, idx9[:, :K + 1].reshape(-1))
    g9 = g9.reshape(N, (K + 1) * CH)
    hpre, s1 = _mlp1(g9, W1, b1)
    gh = _sc_gather(hpre, nbr[:, :NOFF].T.reshape(-1))
    gh = gh.reshape(NOFF, N, CH)
    msk_t = msk[:, :NOFF].T.reshape(NOFF, 1, N)
    conv, s2 = _conv(gh, msk_t, W2, b2, s1, g1, beta1)
    return _final(conv, s2, g2, beta2, W3, b3)

# --- scband reference (transcript-rebuilt; emitter-appended) ---
"""Pipeline reference for scband-knncontext-model-6047313953107 (READ-ONLY COPY).

The authoritative reference and input builder live on the scoring server;
editing this copy changes nothing except your own understanding.
"""

import jax, jax.numpy as jnp
import numpy as np

N = 8192
IN_CH = 128
OUT_CH = 128
K = 8
D = 66  # hash stride: grid extent 64 plus +/-1 offsets, shifted by +1


def setup_inputs(seed: int = 0):
    key = jax.random.key(seed)
    ks = jax.random.split(key, 8)
    feats = jax.random.normal(ks[0], (N, IN_CH), dtype=jnp.float32)
    coords = jax.random.randint(ks[1], (N, 4), 0, 64, dtype=jnp.int32)
    W1 = jax.random.normal(ks[2], (IN_CH * (K + 1), 128), dtype=jnp.float32) * 0.02
    b1 = jnp.zeros((128,), dtype=jnp.float32)
    g1 = jnp.ones((128,), dtype=jnp.float32)
    beta1 = jnp.zeros((128,), dtype=jnp.float32)
    W2 = jax.random.normal(ks[3], (27, 128, 128), dtype=jnp.float32) * 0.02
    b2 = jnp.zeros((128,), dtype=jnp.float32)
    g2 = jnp.ones((128,), dtype=jnp.float32)
    beta2 = jnp.zeros((128,), dtype=jnp.float32)
    W3 = jax.random.normal(ks[4], (128, 2 * OUT_CH), dtype=jnp.float32) * 0.02
    b3 = jnp.zeros((2 * OUT_CH,), dtype=jnp.float32)
    return dict(feats=feats, coords=coords, W1=W1, b1=b1, g1=g1, beta1=beta1,
                W2=W2, b2=b2, g2=g2, beta2=beta2, W3=W3, b3=b3)


def _bn(x, g, b, eps=1e-5):
    m = jnp.mean(x, axis=0)
    v = jnp.var(x, axis=0)
    return (x - m) / jnp.sqrt(v + eps) * g + b


def _knn_idx(coords, k):
    # batch-aware kNN: offset each batch far apart so cross-batch pairs never win
    b = coords[:, 0].astype(jnp.float32)
    xyz = coords[:, 1:].astype(jnp.float32)
    p = xyz + b[:, None] * 1e4
    sq = jnp.sum(p * p, axis=1)
    d2 = sq[:, None] + sq[None, :] - 2.0 * (p @ p.T)
    _, idx = jax.lax.top_k(-d2, k)  # includes self, like knn(x, x, k)
    return idx


def _sparse_conv3(h, coords, W2, b2):
    # MinkowskiConvolution kernel_size=3: sum over 27 coordinate offsets,
    # neighbor lookup via integer hashing + sorted search
    b = coords[:, 0].astype(jnp.int32)
    x = coords[:, 1].astype(jnp.int32) + 1
    y = coords[:, 2].astype(jnp.int32) + 1
    z = coords[:, 3].astype(jnp.int32) + 1
    keys = ((b * D + x) * D + y) * D + z
    order = jnp.argsort(keys)
    skeys = keys[order]
    out = jnp.zeros((h.shape[0], W2.shape[2]), dtype=h.dtype)
    kidx = 0
    for dx in (-1, 0, 1):
        for dy in (-1, 0, 1):
            for dz in (-1, 0, 1):
                qk = ((b * D + (x + dx)) * D + (y + dy)) * D + (z + dz)
                pos = jnp.clip(jnp.searchsorted(skeys, qk), 0, skeys.shape[0] - 1)
                match = (skeys[pos] == qk).astype(h.dtype)
                src = order[pos]
                out = out + (h[src] * match[:, None]) @ W2[kidx]
                kidx += 1
    return out + b2


def reference(feats, coords, W1, b1, g1, beta1, W2, b2, g2, beta2, W3, b3):
    idx = _knn_idx(coords, K)                              # (N, K)
    nbr = feats[idx].reshape(feats.shape[0], K * feats.shape[1])
    combined = jnp.concatenate([feats, nbr], axis=1)       # (N, (K+1)*C)
    h = jax.nn.relu(_bn(combined @ W1 + b1, g1, beta1))    # neighbor_processor
    h = _sparse_conv3(h, coords, W2, b2)                   # 3x3x3 sparse conv
    h = jax.nn.relu(_bn(h, g2, beta2))
    out = h @ W3 + b3                                      # 1x1 conv -> 2*out_ch
    return out

if __name__ == "__main__":
    import jax
    _d = setup_inputs()
    print(jax.jit(kernel)(*tuple(_d.values())))

</pallas_src>

<mosaic_0001>
#map = affine_map<(d0, d1) -> (0, 0)>
#map1 = affine_map<(d0, d1) -> (0)>
module attributes {stable_mosaic.version = 14 : i64} {
  func.func @gather_k(%arg0: i32, %arg1: i32, %arg2: memref<16384x128xi32, #tpu.memory_space<hbm>>, %arg3: memref<8192xi32, #tpu.memory_space<hbm>>, %arg4: memref<8192x128xi32, #tpu.memory_space<hbm>>, %arg5: memref<256xi32, #tpu.memory_space<vmem>>, %arg6: memref<256x128xi32, #tpu.memory_space<vmem>>, %arg7: memref<!tpu.dma_semaphore, #tpu.memory_space<semaphore_mem>>) attributes {dimension_semantics = [#tpu.dimension_semantics<core_parallel>, #tpu.dimension_semantics<subcore_parallel>], iteration_bounds = array<i64: 2, 16>, scalar_prefetch = 0 : i64, scratch_operands = 3 : i64, tpu.core_type = #tpu.core_type<sc_vector_subcore>, window_params = [{transform_indices = #map}, {transform_indices = #map1}, {transform_indices = #map}]} {
    %mul3A = arith.constant 2 : i32
    %mul3A_0 = arith.muli %arg1, %mul3A : i32
    %add3A = arith.addi %mul3A_0, %arg0 : i32
    %mul3A_1 = arith.constant 256 : i32
    %mul3A_2 = arith.muli %add3A, %mul3A_1 : i32
    %scan3A = arith.constant 0 : i32
    %scan3A_3 = arith.constant 0 : i32
    %mul3A_4 = arith.constant 256 : i32
    %mul3A_5 = arith.muli %scan3A_3, %mul3A_4 : i32
    %add3A_6 = arith.addi %mul3A_2, %mul3A_5 : i32
    "tpu.region"() ({
      %run_scoped3A = tpu.sem_alloc : memref<!tpu.dma_semaphore, #tpu.memory_space<semaphore_mem>>
      %dma_start3A_12 = tpu.memref_slice %arg3[%add3A_6] : memref<8192xi32, #tpu.memory_space<hbm>> -> memref<256xi32, #tpu.memory_space<hbm>>
      %dma_start3A_13 = tpu.memref_slice %arg3[%add3A_6] : memref<8192xi32, #tpu.memory_space<hbm>> -> memref<256xi32, #tpu.memory_space<hbm>>
      tpu.enqueue_dma source(%dma_start3A_13 : memref<256xi32, #tpu.memory_space<hbm>>) target(%arg5 : memref<256xi32, #tpu.memory_space<vmem>>) target_semaphore(%run_scoped3A : memref<!tpu.dma_semaphore, #tpu.memory_space<semaphore_mem>>)
      %dma_wait3A_14 = tpu.memref_slice %arg3[%add3A_6] : memref<8192xi32, #tpu.memory_space<hbm>> -> memref<256xi32, #tpu.memory_space<hbm>>
      %dma_wait3A_15 = tpu.memref_slice %arg3[%add3A_6] : memref<8192xi32, #tpu.memory_space<hbm>> -> memref<256xi32, #tpu.memory_space<hbm>>
      tpu.wait_dma2 semaphore(%run_scoped3A : memref<!tpu.dma_semaphore, #tpu.memory_space<semaphore_mem>>) src(%dma_wait3A_15 : memref<256xi32, #tpu.memory_space<hbm>>) dst(%arg5 : memref<256xi32, #tpu.memory_space<vmem>>)
      tpu.yield
    }) : () -> ()
    %dma_start3A = arith.constant 0 : i32
    %dma_start3A_7 = arith.constant 0 : i32
    %dma_start3A_8 = tpu.memref_slice %arg2[%dma_start3A, %dma_start3A_7] : memref<16384x128xi32, #tpu.memory_space<hbm>> -> memref<16384x128xi32, #tpu.memory_space<hbm>>
    tpu.enqueue_indirect_dma source(%dma_start3A_8 : memref<16384x128xi32, #tpu.memory_space<hbm>>) target(%arg6 : memref<256x128xi32, #tpu.memory_space<vmem>>) offsets(%arg5 : memref<256xi32, #tpu.memory_space<vmem>>) semaphore(%arg7 : memref<!tpu.dma_semaphore, #tpu.memory_space<semaphore_mem>>)
    %dma_wait3A = arith.constant 0 : i32
    %dma_wait3A_9 = arith.constant 0 : i32
    %dma_wait3A_10 = tpu.memref_slice %arg2[%dma_wait3A, %dma_wait3A_9] : memref<16384x128xi32, #tpu.memory_space<hbm>> -> memref<16384x128xi32, #tpu.memory_space<hbm>>
    tpu.wait_indirect_dma semaphore(%arg7 : memref<!tpu.dma_semaphore, #tpu.memory_space<semaphore_mem>>) src(%dma_wait3A_10 : memref<16384x128xi32, #tpu.memory_space<hbm>>) dst(%arg6 : memref<256x128xi32, #tpu.memory_space<vmem>>)
    "tpu.region"() ({
      %run_scoped3A = tpu.sem_alloc : memref<!tpu.dma_semaphore, #tpu.memory_space<semaphore_mem>>
      %dma_start3A_12 = arith.constant 0 : i32
      %dma_start3A_13 = tpu.memref_slice %arg4[%add3A_6, %dma_start3A_12] : memref<8192x128xi32, #tpu.memory_space<hbm>> -> memref<256x128xi32, #tpu.memory_space<hbm>>
      %dma_start3A_14 = arith.constant 0 : i32
      %dma_start3A_15 = tpu.memref_slice %arg4[%add3A_6, %dma_start3A_14] : memref<8192x128xi32, #tpu.memory_space<hbm>> -> memref<256x128xi32, #tpu.memory_space<hbm>>
      tpu.enqueue_dma source(%arg6 : memref<256x128xi32, #tpu.memory_space<vmem>>) target(%dma_start3A_15 : memref<256x128xi32, #tpu.memory_space<hbm>>) target_semaphore(%run_scoped3A : memref<!tpu.dma_semaphore, #tpu.memory_space<semaphore_mem>>)
      %dma_wait3A_16 = arith.constant 0 : i32
      %dma_wait3A_17 = tpu.memref_slice %arg4[%add3A_6, %dma_wait3A_16] : memref<8192x128xi32, #tpu.memory_space<hbm>> -> memref<256x128xi32, #tpu.memory_space<hbm>>
      %dma_wait3A_18 = arith.constant 0 : i32
      %dma_wait3A_19 = tpu.memref_slice %arg4[%add3A_6, %dma_wait3A_18] : memref<8192x128xi32, #tpu.memory_space<hbm>> -> memref<256x128xi32, #tpu.memory_space<hbm>>
      tpu.wait_dma2 semaphore(%run_scoped3A : memref<!tpu.dma_semaphore, #tpu.memory_space<semaphore_mem>>) src(%arg6 : memref<256x128xi32, #tpu.memory_space<vmem>>) dst(%dma_wait3A_19 : memref<256x128xi32, #tpu.memory_space<hbm>>)
      tpu.yield
    }) : () -> ()
    %scan3A_11 = arith.constant 1 : i32
    return
  }
}

#map = affine_map<(d0, d1) -> (0, 0)>
#map1 = affine_map<(d0, d1) -> (0)>
module attributes {stable_mosaic.version = 14 : i64} {
  func.func @gather_k(%arg0: i32, %arg1: i32, %arg2: memref<8192x128xf32, #tpu.memory_space<hbm>>, %arg3: memref<16384xi32, #tpu.memory_space<hbm>>, %arg4: memref<16384x128xf32, #tpu.memory_space<hbm>>, %arg5: memref<256xi32, #tpu.memory_space<vmem>>, %arg6: memref<256x128xf32, #tpu.memory_space<vmem>>, %arg7: memref<!tpu.dma_semaphore, #tpu.memory_space<semaphore_mem>>) attributes {dimension_semantics = [#tpu.dimension_semantics<core_parallel>, #tpu.dimension_semantics<subcore_parallel>], iteration_bounds = array<i64: 2, 16>, scalar_prefetch = 0 : i64, scratch_operands = 3 : i64, tpu.core_type = #tpu.core_type<sc_vector_subcore>, window_params = [{transform_indices = #map}, {transform_indices = #map1}, {transform_indices = #map}]} {
    %mul3A = arith.constant 2 : i32
    %mul3A_0 = arith.muli %arg1, %mul3A : i32
    %add3A = arith.addi %mul3A_0, %arg0 : i32
    %mul3A_1 = arith.constant 512 : i32
    %mul3A_2 = arith.muli %add3A, %mul3A_1 : i32
    %scan3A = arith.constant 0 : i32
    %scan3A_3 = arith.constant 0 : i32
    %scan3A_4 = arith.constant 2 : i32
    %scan3A_5 = arith.addi %scan3A_3, %scan3A_4 : i32
    %scan3A_6 = arith.constant 1 : i32
    scf.for %scan3A_8 = %scan3A_3 to %scan3A_5 step %scan3A_6  : i32 {
      %mul3A_9 = arith.constant 256 : i32
      %mul3A_10 = arith.muli %scan3A_8, %mul3A_9 : i32
      %add3A_11 = arith.addi %mul3A_2, %mul3A_10 : i32
      "tpu.region"() ({
        %run_scoped3A = tpu.sem_alloc : memref<!tpu.dma_semaphore, #tpu.memory_space<semaphore_mem>>
        %dma_start3A_16 = tpu.memref_slice %arg3[%add3A_11] : memref<16384xi32, #tpu.memory_space<hbm>> -> memref<256xi32, #tpu.memory_space<hbm>>
        %dma_start3A_17 = tpu.memref_slice %arg3[%add3A_11] : memref<16384xi32, #tpu.memory_space<hbm>> -> memref<256xi32, #tpu.memory_space<hbm>>
        tpu.enqueue_dma source(%dma_start3A_17 : memref<256xi32, #tpu.memory_space<hbm>>) target(%arg5 : memref<256xi32, #tpu.memory_space<vmem>>) target_semaphore(%run_scoped3A : memref<!tpu.dma_semaphore, #tpu.memory_space<semaphore_mem>>)
        %dma_wait3A_18 = tpu.memref_slice %arg3[%add3A_11] : memref<16384xi32, #tpu.memory_space<hbm>> -> memref<256xi32, #tpu.memory_space<hbm>>
        %dma_wait3A_19 = tpu.memref_slice %arg3[%add3A_11] : memref<16384xi32, #tpu.memory_space<hbm>> -> memref<256xi32, #tpu.memory_space<hbm>>
        tpu.wait_dma2 semaphore(%run_scoped3A : memref<!tpu.dma_semaphore, #tpu.memory_space<semaphore_mem>>) src(%dma_wait3A_19 : memref<256xi32, #tpu.memory_space<hbm>>) dst(%arg5 : memref<256xi32, #tpu.memory_space<vmem>>)
        tpu.yield
      }) : () -> ()
      %dma_start3A = arith.constant 0 : i32
      %dma_start3A_12 = arith.constant 0 : i32
      %dma_start3A_13 = tpu.memref_slice %arg2[%dma_start3A, %dma_start3A_12] : memref<8192x128xf32, #tpu.memory_space<hbm>> -> memref<8192x128xf32, #tpu.memory_space<hbm>>
      tpu.enqueue_indirect_dma source(%dma_start3A_13 : memref<8192x128xf32, #tpu.memory_space<hbm>>) target(%arg6 : memref<256x128xf32, #tpu.memory_space<vmem>>) offsets(%arg5 : memref<256xi32, #tpu.memory_space<vmem>>) semaphore(%arg7 : memref<!tpu.dma_semaphore, #tpu.memory_space<semaphore_mem>>)
      %dma_wait3A = arith.constant 0 : i32
      %dma_wait3A_14 = arith.constant 0 : i32
      %dma_wait3A_15 = tpu.memref_slice %arg2[%dma_wait3A, %dma_wait3A_14] : memref<8192x128xf32, #tpu.memory_space<hbm>> -> memref<8192x128xf32, #tpu.memory_space<hbm>>
      tpu.wait_indirect_dma semaphore(%arg7 : memref<!tpu.dma_semaphore, #tpu.memory_space<semaphore_mem>>) src(%dma_wait3A_15 : memref<8192x128xf32, #tpu.memory_space<hbm>>) dst(%arg6 : memref<256x128xf32, #tpu.memory_space<vmem>>)
      "tpu.region"() ({
        %run_scoped3A = tpu.sem_alloc : memref<!tpu.dma_semaphore, #tpu.memory_space<semaphore_mem>>
        %dma_start3A_16 = arith.constant 0 : i32
        %dma_start3A_17 = tpu.memref_slice %arg4[%add3A_11, %dma_start3A_16] : memref<16384x128xf32, #tpu.memory_space<hbm>> -> memref<256x128xf32, #tpu.memory_space<hbm>>
        %dma_start3A_18 = arith.constant 0 : i32
        %dma_start3A_19 = tpu.memref_slice %arg4[%add3A_11, %dma_start3A_18] : memref<16384x128xf32, #tpu.memory_space<hbm>> -> memref<256x128xf32, #tpu.memory_space<hbm>>
        tpu.enqueue_dma source(%arg6 : memref<256x128xf32, #tpu.memory_space<vmem>>) target(%dma_start3A_19 : memref<256x128xf32, #tpu.memory_space<hbm>>) target_semaphore(%run_scoped3A : memref<!tpu.dma_semaphore, #tpu.memory_space<semaphore_mem>>)
        %dma_wait3A_20 = arith.constant 0 : i32
        %dma_wait3A_21 = tpu.memref_slice %arg4[%add3A_11, %dma_wait3A_20] : memref<16384x128xf32, #tpu.memory_space<hbm>> -> memref<256x128xf32, #tpu.memory_space<hbm>>
        %dma_wait3A_22 = arith.constant 0 : i32
        %dma_wait3A_23 = tpu.memref_slice %arg4[%add3A_11, %dma_wait3A_22] : memref<16384x128xf32, #tpu.memory_space<hbm>> -> memref<256x128xf32, #tpu.memory_space<hbm>>
        tpu.wait_dma2 semaphore(%run_scoped3A : memref<!tpu.dma_semaphore, #tpu.memory_space<semaphore_mem>>) src(%arg6 : memref<256x128xf32, #tpu.memory_space<vmem>>) dst(%dma_wait3A_23 : memref<256x128xf32, #tpu.memory_space<hbm>>)
        tpu.yield
      }) : () -> ()
    }
    %scan3A_7 = arith.constant 2 : i32
    return
  }
}

#map = affine_map<(d0, d1) -> (0, 0)>
#map1 = affine_map<(d0, d1) -> (0)>
module attributes {stable_mosaic.version = 14 : i64} {
  func.func @gather_k(%arg0: i32, %arg1: i32, %arg2: memref<8192x128xf32, #tpu.memory_space<hbm>>, %arg3: memref<73728xi32, #tpu.memory_space<hbm>>, %arg4: memref<73728x128xf32, #tpu.memory_space<hbm>>, %arg5: memref<256xi32, #tpu.memory_space<vmem>>, %arg6: memref<256x128xf32, #tpu.memory_space<vmem>>, %arg7: memref<!tpu.dma_semaphore, #tpu.memory_space<semaphore_mem>>) attributes {dimension_semantics = [#tpu.dimension_semantics<core_parallel>, #tpu.dimension_semantics<subcore_parallel>], iteration_bounds = array<i64: 2, 16>, scalar_prefetch = 0 : i64, scratch_operands = 3 : i64, tpu.core_type = #tpu.core_type<sc_vector_subcore>, window_params = [{transform_indices = #map}, {transform_indices = #map1}, {transform_indices = #map}]} {
    %mul3A = arith.constant 2 : i32
    %mul3A_0 = arith.muli %arg1, %mul3A : i32
    %add3A = arith.addi %mul3A_0, %arg0 : i32
    %mul3A_1 = arith.constant 2304 : i32
    %mul3A_2 = arith.muli %add3A, %mul3A_1 : i32
    %scan3A = arith.constant 0 : i32
    %scan3A_3 = arith.constant 0 : i32
    %scan3A_4 = arith.constant 9 : i32
    %scan3A_5 = arith.addi %scan3A_3, %scan3A_4 : i32
    %scan3A_6 = arith.constant 1 : i32
    scf.for %scan3A_8 = %scan3A_3 to %scan3A_5 step %scan3A_6  : i32 {
      %mul3A_9 = arith.constant 256 : i32
      %mul3A_10 = arith.muli %scan3A_8, %mul3A_9 : i32
      %add3A_11 = arith.addi %mul3A_2, %mul3A_10 : i32
      "tpu.region"() ({
        %run_scoped3A = tpu.sem_alloc : memref<!tpu.dma_semaphore, #tpu.memory_space<semaphore_mem>>
        %dma_start3A_16 = tpu.memref_slice %arg3[%add3A_11] : memref<73728xi32, #tpu.memory_space<hbm>> -> memref<256xi32, #tpu.memory_space<hbm>>
        %dma_start3A_17 = tpu.memref_slice %arg3[%add3A_11] : memref<73728xi32, #tpu.memory_space<hbm>> -> memref<256xi32, #tpu.memory_space<hbm>>
        tpu.enqueue_dma source(%dma_start3A_17 : memref<256xi32, #tpu.memory_space<hbm>>) target(%arg5 : memref<256xi32, #tpu.memory_space<vmem>>) target_semaphore(%run_scoped3A : memref<!tpu.dma_semaphore, #tpu.memory_space<semaphore_mem>>)
        %dma_wait3A_18 = tpu.memref_slice %arg3[%add3A_11] : memref<73728xi32, #tpu.memory_space<hbm>> -> memref<256xi32, #tpu.memory_space<hbm>>
        %dma_wait3A_19 = tpu.memref_slice %arg3[%add3A_11] : memref<73728xi32, #tpu.memory_space<hbm>> -> memref<256xi32, #tpu.memory_space<hbm>>
        tpu.wait_dma2 semaphore(%run_scoped3A : memref<!tpu.dma_semaphore, #tpu.memory_space<semaphore_mem>>) src(%dma_wait3A_19 : memref<256xi32, #tpu.memory_space<hbm>>) dst(%arg5 : memref<256xi32, #tpu.memory_space<vmem>>)
        tpu.yield
      }) : () -> ()
      %dma_start3A = arith.constant 0 : i32
      %dma_start3A_12 = arith.constant 0 : i32
      %dma_start3A_13 = tpu.memref_slice %arg2[%dma_start3A, %dma_start3A_12] : memref<8192x128xf32, #tpu.memory_space<hbm>> -> memref<8192x128xf32, #tpu.memory_space<hbm>>
      tpu.enqueue_indirect_dma source(%dma_start3A_13 : memref<8192x128xf32, #tpu.memory_space<hbm>>) target(%arg6 : memref<256x128xf32, #tpu.memory_space<vmem>>) offsets(%arg5 : memref<256xi32, #tpu.memory_space<vmem>>) semaphore(%arg7 : memref<!tpu.dma_semaphore, #tpu.memory_space<semaphore_mem>>)
      %dma_wait3A = arith.constant 0 : i32
      %dma_wait3A_14 = arith.constant 0 : i32
      %dma_wait3A_15 = tpu.memref_slice %arg2[%dma_wait3A, %dma_wait3A_14] : memref<8192x128xf32, #tpu.memory_space<hbm>> -> memref<8192x128xf32, #tpu.memory_space<hbm>>
      tpu.wait_indirect_dma semaphore(%arg7 : memref<!tpu.dma_semaphore, #tpu.memory_space<semaphore_mem>>) src(%dma_wait3A_15 : memref<8192x128xf32, #tpu.memory_space<hbm>>) dst(%arg6 : memref<256x128xf32, #tpu.memory_space<vmem>>)
      "tpu.region"() ({
        %run_scoped3A = tpu.sem_alloc : memref<!tpu.dma_semaphore, #tpu.memory_space<semaphore_mem>>
        %dma_start3A_16 = arith.constant 0 : i32
        %dma_start3A_17 = tpu.memref_slice %arg4[%add3A_11, %dma_start3A_16] : memref<73728x128xf32, #tpu.memory_space<hbm>> -> memref<256x128xf32, #tpu.memory_space<hbm>>
        %dma_start3A_18 = arith.constant 0 : i32
        %dma_start3A_19 = tpu.memref_slice %arg4[%add3A_11, %dma_start3A_18] : memref<73728x128xf32, #tpu.memory_space<hbm>> -> memref<256x128xf32, #tpu.memory_space<hbm>>
        tpu.enqueue_dma source(%arg6 : memref<256x128xf32, #tpu.memory_space<vmem>>) target(%dma_start3A_19 : memref<256x128xf32, #tpu.memory_space<hbm>>) target_semaphore(%run_scoped3A : memref<!tpu.dma_semaphore, #tpu.memory_space<semaphore_mem>>)
        %dma_wait3A_20 = arith.constant 0 : i32
        %dma_wait3A_21 = tpu.memref_slice %arg4[%add3A_11, %dma_wait3A_20] : memref<73728x128xf32, #tpu.memory_space<hbm>> -> memref<256x128xf32, #tpu.memory_space<hbm>>
        %dma_wait3A_22 = arith.constant 0 : i32
        %dma_wait3A_23 = tpu.memref_slice %arg4[%add3A_11, %dma_wait3A_22] : memref<73728x128xf32, #tpu.memory_space<hbm>> -> memref<256x128xf32, #tpu.memory_space<hbm>>
        tpu.wait_dma2 semaphore(%run_scoped3A : memref<!tpu.dma_semaphore, #tpu.memory_space<semaphore_mem>>) src(%arg6 : memref<256x128xf32, #tpu.memory_space<vmem>>) dst(%dma_wait3A_23 : memref<256x128xf32, #tpu.memory_space<hbm>>)
        tpu.yield
      }) : () -> ()
    }
    %scan3A_7 = arith.constant 9 : i32
    return
  }
}

#map = affine_map<(d0, d1) -> (0, 0)>
#map1 = affine_map<(d0, d1) -> (0)>
module attributes {stable_mosaic.version = 14 : i64} {
  func.func @gather_k(%arg0: i32, %arg1: i32, %arg2: memref<8192x128xf32, #tpu.memory_space<hbm>>, %arg3: memref<221184xi32, #tpu.memory_space<hbm>>, %arg4: memref<221184x128xf32, #tpu.memory_space<hbm>>, %arg5: memref<256xi32, #tpu.memory_space<vmem>>, %arg6: memref<256x128xf32, #tpu.memory_space<vmem>>, %arg7: memref<!tpu.dma_semaphore, #tpu.memory_space<semaphore_mem>>) attributes {dimension_semantics = [#tpu.dimension_semantics<core_parallel>, #tpu.dimension_semantics<subcore_parallel>], iteration_bounds = array<i64: 2, 16>, scalar_prefetch = 0 : i64, scratch_operands = 3 : i64, tpu.core_type = #tpu.core_type<sc_vector_subcore>, window_params = [{transform_indices = #map}, {transform_indices = #map1}, {transform_indices = #map}]} {
    %mul3A = arith.constant 2 : i32
    %mul3A_0 = arith.muli %arg1, %mul3A : i32
    %add3A = arith.addi %mul3A_0, %arg0 : i32
    %mul3A_1 = arith.constant 6912 : i32
    %mul3A_2 = arith.muli %add3A, %mul3A_1 : i32
    %scan3A = arith.constant 0 : i32
    %scan3A_3 = arith.constant 0 : i32
    %scan3A_4 = arith.constant 27 : i32
    %scan3A_5 = arith.addi %scan3A_3, %scan3A_4 : i32
    %scan3A_6 = arith.constant 1 : i32
    scf.for %scan3A_8 = %scan3A_3 to %scan3A_5 step %scan3A_6  : i32 {
      %mul3A_9 = arith.constant 256 : i32
      %mul3A_10 = arith.muli %scan3A_8, %mul3A_9 : i32
      %add3A_11 = arith.addi %mul3A_2, %mul3A_10 : i32
      "tpu.region"() ({
        %run_scoped3A = tpu.sem_alloc : memref<!tpu.dma_semaphore, #tpu.memory_space<semaphore_mem>>
        %dma_start3A_16 = tpu.memref_slice %arg3[%add3A_11] : memref<221184xi32, #tpu.memory_space<hbm>> -> memref<256xi32, #tpu.memory_space<hbm>>
        %dma_start3A_17 = tpu.memref_slice %arg3[%add3A_11] : memref<221184xi32, #tpu.memory_space<hbm>> -> memref<256xi32, #tpu.memory_space<hbm>>
        tpu.enqueue_dma source(%dma_start3A_17 : memref<256xi32, #tpu.memory_space<hbm>>) target(%arg5 : memref<256xi32, #tpu.memory_space<vmem>>) target_semaphore(%run_scoped3A : memref<!tpu.dma_semaphore, #tpu.memory_space<semaphore_mem>>)
        %dma_wait3A_18 = tpu.memref_slice %arg3[%add3A_11] : memref<221184xi32, #tpu.memory_space<hbm>> -> memref<256xi32, #tpu.memory_space<hbm>>
        %dma_wait3A_19 = tpu.memref_slice %arg3[%add3A_11] : memref<221184xi32, #tpu.memory_space<hbm>> -> memref<256xi32, #tpu.memory_space<hbm>>
        tpu.wait_dma2 semaphore(%run_scoped3A : memref<!tpu.dma_semaphore, #tpu.memory_space<semaphore_mem>>) src(%dma_wait3A_19 : memref<256xi32, #tpu.memory_space<hbm>>) dst(%arg5 : memref<256xi32, #tpu.memory_space<vmem>>)
        tpu.yield
      }) : () -> ()
      %dma_start3A = arith.constant 0 : i32
      %dma_start3A_12 = arith.constant 0 : i32
      %dma_start3A_13 = tpu.memref_slice %arg2[%dma_start3A, %dma_start3A_12] : memref<8192x128xf32, #tpu.memory_space<hbm>> -> memref<8192x128xf32, #tpu.memory_space<hbm>>
      tpu.enqueue_indirect_dma source(%dma_start3A_13 : memref<8192x128xf32, #tpu.memory_space<hbm>>) target(%arg6 : memref<256x128xf32, #tpu.memory_space<vmem>>) offsets(%arg5 : memref<256xi32, #tpu.memory_space<vmem>>) semaphore(%arg7 : memref<!tpu.dma_semaphore, #tpu.memory_space<semaphore_mem>>)
      %dma_wait3A = arith.constant 0 : i32
      %dma_wait3A_14 = arith.constant 0 : i32
      %dma_wait3A_15 = tpu.memref_slice %arg2[%dma_wait3A, %dma_wait3A_14] : memref<8192x128xf32, #tpu.memory_space<hbm>> -> memref<8192x128xf32, #tpu.memory_space<hbm>>
      tpu.wait_indirect_dma semaphore(%arg7 : memref<!tpu.dma_semaphore, #tpu.memory_space<semaphore_mem>>) src(%dma_wait3A_15 : memref<8192x128xf32, #tpu.memory_space<hbm>>) dst(%arg6 : memref<256x128xf32, #tpu.memory_space<vmem>>)
      "tpu.region"() ({
        %run_scoped3A = tpu.sem_alloc : memref<!tpu.dma_semaphore, #tpu.memory_space<semaphore_mem>>
        %dma_start3A_16 = arith.constant 0 : i32
        %dma_start3A_17 = tpu.memref_slice %arg4[%add3A_11, %dma_start3A_16] : memref<221184x128xf32, #tpu.memory_space<hbm>> -> memref<256x128xf32, #tpu.memory_space<hbm>>
        %dma_start3A_18 = arith.constant 0 : i32
        %dma_start3A_19 = tpu.memref_slice %arg4[%add3A_11, %dma_start3A_18] : memref<221184x128xf32, #tpu.memory_space<hbm>> -> memref<256x128xf32, #tpu.memory_space<hbm>>
        tpu.enqueue_dma source(%arg6 : memref<256x128xf32, #tpu.memory_space<vmem>>) target(%dma_start3A_19 : memref<256x128xf32, #tpu.memory_space<hbm>>) target_semaphore(%run_scoped3A : memref<!tpu.dma_semaphore, #tpu.memory_space<semaphore_mem>>)
        %dma_wait3A_20 = arith.constant 0 : i32
        %dma_wait3A_21 = tpu.memref_slice %arg4[%add3A_11, %dma_wait3A_20] : memref<221184x128xf32, #tpu.memory_space<hbm>> -> memref<256x128xf32, #tpu.memory_space<hbm>>
        %dma_wait3A_22 = arith.constant 0 : i32
        %dma_wait3A_23 = tpu.memref_slice %arg4[%add3A_11, %dma_wait3A_22] : memref<221184x128xf32, #tpu.memory_space<hbm>> -> memref<256x128xf32, #tpu.memory_space<hbm>>
        tpu.wait_dma2 semaphore(%run_scoped3A : memref<!tpu.dma_semaphore, #tpu.memory_space<semaphore_mem>>) src(%arg6 : memref<256x128xf32, #tpu.memory_space<vmem>>) dst(%dma_wait3A_23 : memref<256x128xf32, #tpu.memory_space<hbm>>)
        tpu.yield
      }) : () -> ()
    }
    %scan3A_7 = arith.constant 27 : i32
    return
  }
}

module attributes {stable_mosaic.version = 14 : i64} {
  func.func @_pos_kernel(%arg0: i32, %arg1: memref<8x8192xi32, #tpu.memory_space<vmem>>, %arg2: memref<1x8192xi32, #tpu.memory_space<vmem>>, %arg3: memref<8192x128xf32, #tpu.memory_space<vmem>>) attributes {dimension_semantics = [#tpu.dimension_semantics<arbitrary>], iteration_bounds = array<i64: 1>, scalar_prefetch = 0 : i64, scratch_operands = 0 : i64, tpu.core_type = #tpu.core_type<tc>, window_params = [{pipeline_mode = #tpu.pipeline_mode<synchronous>, transform_indices = @transform_0, window_bounds = array<i64: 8, 8192>}, {pipeline_mode = #tpu.pipeline_mode<synchronous>, transform_indices = @transform_1, window_bounds = array<i64: 1, 8192>}, {pipeline_mode = #tpu.pipeline_mode<synchronous>, transform_indices = @transform_2, window_bounds = array<i64: 8192, 128>}]} {
    %get3A = arith.constant 0 : index
    %get3A_0 = arith.constant 0 : index
    %get3A_1 = vector.load %arg1[%get3A, %get3A_0] : memref<8x8192xi32, #tpu.memory_space<vmem>>, vector<1x8192xi32>
    %iota3A = tpu.iota {dimensions = array<i32: 0>} : vector<64x1xi32>
    %eq3A = vector.broadcast %get3A_1 : vector<1x8192xi32> to vector<64x8192xi32>
    %eq3A_2 = vector.broadcast %iota3A : vector<64x1xi32> to vector<64x8192xi32>
    %eq3A_3 = arith.cmpi eq, %eq3A, %eq3A_2 : vector<64x8192xi32>
    %convert_element_type3A = arith.extui %eq3A_3 : vector<64x8192xi1> to vector<64x8192xi32>
    %convert_element_type3A_4 = arith.sitofp %convert_element_type3A : vector<64x8192xi32> to vector<64x8192xf32>
    %broadcast_in_dim3A = arith.constant 0.000000e+00 : f32
    %broadcast_in_dim3A_5 = vector.broadcast %broadcast_in_dim3A : f32 to vector<64x1xf32>
    %slice3A = vector.extract_strided_slice %convert_element_type3A_4 {offsets = [0, 0], sizes = [64, 8191], strides = [1, 1]} : vector<64x8192xf32> to vector<64x8191xf32>
    %concatenate3A = tpu.concatenate %broadcast_in_dim3A_5, %slice3A in 1 : vector<64x1xf32>, vector<64x8191xf32> -> vector<64x8192xf32>
    %add3A = arith.addf %convert_element_type3A_4, %concatenate3A : vector<64x8192xf32>
    %broadcast_in_dim3A_6 = arith.constant 0.000000e+00 : f32
    %broadcast_in_dim3A_7 = vector.broadcast %broadcast_in_dim3A_6 : f32 to vector<64x2xf32>
    %slice3A_8 = vector.extract_strided_slice %add3A {offsets = [0, 0], sizes = [64, 8190], strides = [1, 1]} : vector<64x8192xf32> to vector<64x8190xf32>
    %concatenate3A_9 = tpu.concatenate %broadcast_in_dim3A_7, %slice3A_8 in 1 : vector<64x2xf32>, vector<64x8190xf32> -> vector<64x8192xf32>
    %add3A_10 = arith.addf %add3A, %concatenate3A_9 : vector<64x8192xf32>
    %broadcast_in_dim3A_11 = arith.constant 0.000000e+00 : f32
    %broadcast_in_dim3A_12 = vector.broadcast %broadcast_in_dim3A_11 : f32 to vector<64x4xf32>
    %slice3A_13 = vector.extract_strided_slice %add3A_10 {offsets = [0, 0], sizes = [64, 8188], strides = [1, 1]} : vector<64x8192xf32> to vector<64x8188xf32>
    %concatenate3A_14 = tpu.concatenate %broadcast_in_dim3A_12, %slice3A_13 in 1 : vector<64x4xf32>, vector<64x8188xf32> -> vector<64x8192xf32>
    %add3A_15 = arith.addf %add3A_10, %concatenate3A_14 : vector<64x8192xf32>
    %broadcast_in_dim3A_16 = arith.constant 0.000000e+00 : f32
    %broadcast_in_dim3A_17 = vector.broadcast %broadcast_in_dim3A_16 : f32 to vector<64x8xf32>
    %slice3A_18 = vector.extract_strided_slice %add3A_15 {offsets = [0, 0], sizes = [64, 8184], strides = [1, 1]} : vector<64x8192xf32> to vector<64x8184xf32>
    %concatenate3A_19 = tpu.concatenate %broadcast_in_dim3A_17, %slice3A_18 in 1 : vector<64x8xf32>, vector<64x8184xf32> -> vector<64x8192xf32>
    %add3A_20 = arith.addf %add3A_15, %concatenate3A_19 : vector<64x8192xf32>
    %broadcast_in_dim3A_21 = arith.constant 0.000000e+00 : f32
    %broadcast_in_dim3A_22 = vector.broadcast %broadcast_in_dim3A_21 : f32 to vector<64x16xf32>
    %slice3A_23 = vector.extract_strided_slice %add3A_20 {offsets = [0, 0], sizes = [64, 8176], strides = [1, 1]} : vector<64x8192xf32> to vector<64x8176xf32>
    %concatenate3A_24 = tpu.concatenate %broadcast_in_dim3A_22, %slice3A_23 in 1 : vector<64x16xf32>, vector<64x8176xf32> -> vector<64x8192xf32>
    %add3A_25 = arith.addf %add3A_20, %concatenate3A_24 : vector<64x8192xf32>
    %broadcast_in_dim3A_26 = arith.constant 0.000000e+00 : f32
    %broadcast_in_dim3A_27 = vector.broadcast %broadcast_in_dim3A_26 : f32 to vector<64x32xf32>
    %slice3A_28 = vector.extract_strided_slice %add3A_25 {offsets = [0, 0], sizes = [64, 8160], strides = [1, 1]} : vector<64x8192xf32> to vector<64x8160xf32>
    %concatenate3A_29 = tpu.concatenate %broadcast_in_dim3A_27, %slice3A_28 in 1 : vector<64x32xf32>, vector<64x8160xf32> -> vector<64x8192xf32>
    %add3A_30 = arith.addf %add3A_25, %concatenate3A_29 : vector<64x8192xf32>
    %broadcast_in_dim3A_31 = arith.constant 0.000000e+00 : f32
    %broadcast_in_dim3A_32 = vector.broadcast %broadcast_in_dim3A_31 : f32 to vector<64x64xf32>
    %slice3A_33 = vector.extract_strided_slice %add3A_30 {offsets = [0, 0], sizes = [64, 8128], strides = [1, 1]} : vector<64x8192xf32> to vector<64x8128xf32>
    %concatenate3A_34 = tpu.concatenate %broadcast_in_dim3A_32, %slice3A_33 in 1 : vector<64x64xf32>, vector<64x8128xf32> -> vector<64x8192xf32>
    %add3A_35 = arith.addf %add3A_30, %concatenate3A_34 : vector<64x8192xf32>
    %broadcast_in_dim3A_36 = arith.constant 0.000000e+00 : f32
    %broadcast_in_dim3A_37 = vector.broadcast %broadcast_in_dim3A_36 : f32 to vector<64x128xf32>
    %slice3A_38 = vector.extract_strided_slice %add3A_35 {offsets = [0, 0], sizes = [64, 8064], strides = [1, 1]} : vector<64x8192xf32> to vector<64x8064xf32>
    %concatenate3A_39 = tpu.concatenate %broadcast_in_dim3A_37, %slice3A_38 in 1 : vector<64x128xf32>, vector<64x8064xf32> -> vector<64x8192xf32>
    %add3A_40 = arith.addf %add3A_35, %concatenate3A_39 : vector<64x8192xf32>
    %broadcast_in_dim3A_41 = arith.constant 0.000000e+00 : f32
    %broadcast_in_dim3A_42 = vector.broadcast %broadcast_in_dim3A_41 : f32 to vector<64x256xf32>
    %slice3A_43 = vector.extract_strided_slice %add3A_40 {offsets = [0, 0], sizes = [64, 7936], strides = [1, 1]} : vector<64x8192xf32> to vector<64x7936xf32>
    %concatenate3A_44 = tpu.concatenate %broadcast_in_dim3A_42, %slice3A_43 in 1 : vector<64x256xf32>, vector<64x7936xf32> -> vector<64x8192xf32>
    %add3A_45 = arith.addf %add3A_40, %concatenate3A_44 : vector<64x8192xf32>
    %broadcast_in_dim3A_46 = arith.constant 0.000000e+00 : f32
    %broadcast_in_dim3A_47 = vector.broadcast %broadcast_in_dim3A_46 : f32 to vector<64x512xf32>
    %slice3A_48 = vector.extract_strided_slice %add3A_45 {offsets = [0, 0], sizes = [64, 7680], strides = [1, 1]} : vector<64x8192xf32> to vector<64x7680xf32>
    %concatenate3A_49 = tpu.concatenate %broadcast_in_dim3A_47, %slice3A_48 in 1 : vector<64x512xf32>, vector<64x7680xf32> -> vector<64x8192xf32>
    %add3A_50 = arith.addf %add3A_45, %concatenate3A_49 : vector<64x8192xf32>
    %broadcast_in_dim3A_51 = arith.constant 0.000000e+00 : f32
    %broadcast_in_dim3A_52 = vector.broadcast %broadcast_in_dim3A_51 : f32 to vector<64x1024xf32>
    %slice3A_53 = vector.extract_strided_slice %add3A_50 {offsets = [0, 0], sizes = [64, 7168], strides = [1, 1]} : vector<64x8192xf32> to vector<64x7168xf32>
    %concatenate3A_54 = tpu.concatenate %broadcast_in_dim3A_52, %slice3A_53 in 1 : vector<64x1024xf32>, vector<64x7168xf32> -> vector<64x8192xf32>
    %add3A_55 = arith.addf %add3A_50, %concatenate3A_54 : vector<64x8192xf32>
    %broadcast_in_dim3A_56 = arith.constant 0.000000e+00 : f32
    %broadcast_in_dim3A_57 = vector.broadcast %broadcast_in_dim3A_56 : f32 to vector<64x2048xf32>
    %slice3A_58 = vector.extract_strided_slice %add3A_55 {offsets = [0, 0], sizes = [64, 6144], strides = [1, 1]} : vector<64x8192xf32> to vector<64x6144xf32>
    %concatenate3A_59 = tpu.concatenate %broadcast_in_dim3A_57, %slice3A_58 in 1 : vector<64x2048xf32>, vector<64x6144xf32> -> vector<64x8192xf32>
    %add3A_60 = arith.addf %add3A_55, %concatenate3A_59 : vector<64x8192xf32>
    %broadcast_in_dim3A_61 = arith.constant 0.000000e+00 : f32
    %broadcast_in_dim3A_62 = vector.broadcast %broadcast_in_dim3A_61 : f32 to vector<64x4096xf32>
    %slice3A_63 = vector.extract_strided_slice %add3A_60 {offsets = [0, 0], sizes = [64, 4096], strides = [1, 1]} : vector<64x8192xf32> to vector<64x4096xf32>
    %concatenate3A_64 = tpu.concatenate %broadcast_in_dim3A_62, %slice3A_63 in 1 : vector<64x4096xf32>, vector<64x4096xf32> -> vector<64x8192xf32>
    %add3A_65 = arith.addf %add3A_60, %concatenate3A_64 : vector<64x8192xf32>
    %mul3A = arith.mulf %convert_element_type3A_4, %add3A_65 : vector<64x8192xf32>
    %reduce_sum3A = arith.constant dense<0.000000e+00> : vector<8192xf32>
    %reduce_sum3A_66 = vector.multi_reduction <add>, %mul3A, %reduce_sum3A [0] : vector<64x8192xf32> to vector<8192xf32>
    %broadcast_in_dim3A_67 = vector.shape_cast %reduce_sum3A_66 : vector<8192xf32> to vector<1x8192xf32>
    %sub3A = arith.constant 1.000000e+00 : f32
    %sub3A_68 = vector.broadcast %sub3A : f32 to vector<1x8192xf32>
    %sub3A_69 = arith.subf %broadcast_in_dim3A_67, %sub3A_68 : vector<1x8192xf32>
    %mul3A_70 = arith.constant 256 : i32
    %mul3A_71 = vector.broadcast %mul3A_70 : i32 to vector<1x8192xi32>
    %mul3A_72 = arith.muli %get3A_1, %mul3A_71 : vector<1x8192xi32>
    %convert_element_type3A_73 = arith.fptosi %sub3A_69 : vector<1x8192xf32> to vector<1x8192xi32>
    %add3A_74 = arith.addi %mul3A_72, %convert_element_type3A_73 : vector<1x8192xi32>
    %swap3A = arith.constant 0 : index
    %swap3A_75 = arith.constant 0 : index
    %swap3A_76 = vector.load %arg2[%swap3A, %swap3A_75] : memref<1x8192xi32, #tpu.memory_space<vmem>>, vector<1x8192xi32>
    tpu.vector_store %arg2[%swap3A, %swap3A_75], %add3A_74 {strides = array<i32>} : memref<1x8192xi32, #tpu.memory_space<vmem>>, vector<1x8192xi32>,
    %get3A_77 = arith.constant 1 : index
    %get3A_78 = arith.constant 0 : index
    %get3A_79 = vector.load %arg1[%get3A_77, %get3A_78] : memref<8x8192xi32, #tpu.memory_space<vmem>>, vector<3x8192xi32>
    %convert_element_type3A_80 = arith.sitofp %get3A_79 : vector<3x8192xi32> to vector<3x8192xf32>
    %iota3A_81 = tpu.iota {dimensions = array<i32: 1>} : vector<1x8192xi32>
    %convert_element_type3A_82 = arith.sitofp %iota3A_81 : vector<1x8192xi32> to vector<1x8192xf32>
    %broadcast_in_dim3A_83 = arith.constant 0.000000e+00 : f32
    %broadcast_in_dim3A_84 = vector.broadcast %broadcast_in_dim3A_83 : f32 to vector<124x8192xf32>
    %concatenate3A_85 = tpu.concatenate %convert_element_type3A_80, %convert_element_type3A_82, %broadcast_in_dim3A_84 in 0 : vector<3x8192xf32>, vector<1x8192xf32>, vector<124x8192xf32> -> vector<128x8192xf32>
    %transpose3A = tpu.transpose %concatenate3A_85, [1, 0] : vector<128x8192xf32> -> vector<8192x128xf32>
    %swap3A_86 = arith.constant 0 : index
    %swap3A_87 = arith.constant 0 : index
    %swap3A_88 = vector.load %arg3[%swap3A_86, %swap3A_87] : memref<8192x128xf32, #tpu.memory_space<vmem>>, vector<8192x128xf32>
    tpu.vector_store %arg3[%swap3A_86, %swap3A_87], %transpose3A {strides = array<i32>} : memref<8192x128xf32, #tpu.memory_space<vmem>>, vector<8192x128xf32>,
    return
  }
  func.func @transform_0(%arg0: i32) -> (i32, i32) {
    %c0_i32 = arith.constant 0 : i32
    %c0_i32_0 = arith.constant 0 : i32
    %c0_i32_1 = arith.constant 0 : i32
    return %c0_i32, %c0_i32_0 : i32, i32
  }
  func.func @transform_1(%arg0: i32) -> (i32, i32) {
    %c0_i32 = arith.constant 0 : i32
    %c0_i32_0 = arith.constant 0 : i32
    %c0_i32_1 = arith.constant 0 : i32
    return %c0_i32, %c0_i32_0 : i32, i32
  }
  func.func @transform_2(%arg0: i32) -> (i32, i32) {
    %c0_i32 = arith.constant 0 : i32
    %c0_i32_0 = arith.constant 0 : i32
    %c0_i32_1 = arith.constant 0 : i32
    return %c0_i32, %c0_i32_0 : i32, i32
  }
}

module attributes {stable_mosaic.version = 14 : i64} {
  func.func @_knn_kernel(%arg0: i32, %arg1: memref<8x8192xf32, #tpu.memory_space<vmem>>, %arg2: memref<128x16xi32, #tpu.memory_space<vmem>>) attributes {dimension_semantics = [#tpu.dimension_semantics<arbitrary>], iteration_bounds = array<i64: 64>, scalar_prefetch = 0 : i64, scratch_operands = 0 : i64, tpu.core_type = #tpu.core_type<tc>, window_params = [{pipeline_mode = #tpu.pipeline_mode<synchronous>, transform_indices = @transform_0, window_bounds = array<i64: 8, 8192>}, {transform_indices = @transform_1, window_bounds = array<i64: 128, 16>}]} {
    %get3A = arith.constant 0 : index
    %get3A_0 = arith.constant 0 : index
    %get3A_1 = vector.load %arg1[%get3A, %get3A_0] : memref<8x8192xf32, #tpu.memory_space<vmem>>, vector<3x8192xf32>
    %mul3A = arith.constant 128 : i32
    %mul3A_2 = arith.muli %arg0, %mul3A : i32
    %get3A_3 = arith.constant 0 : index
    %get3A_4 = arith.index_cast %mul3A_2 : i32 to index
    %get3A_5 = vector.load %arg1[%get3A_3, %get3A_4] : memref<8x8192xf32, #tpu.memory_space<vmem>>, vector<3x128xf32>
    %slice3A = vector.extract_strided_slice %get3A_1 {offsets = [0, 0], sizes = [1, 8192], strides = [1, 1]} : vector<3x8192xf32> to vector<1x8192xf32>
    %slice3A_6 = vector.extract_strided_slice %get3A_1 {offsets = [0, 0], sizes = [1, 8192], strides = [1, 1]} : vector<3x8192xf32> to vector<1x8192xf32>
    %mul3A_7 = arith.mulf %slice3A, %slice3A_6 : vector<1x8192xf32>
    %slice3A_8 = vector.extract_strided_slice %get3A_1 {offsets = [1, 0], sizes = [1, 8192], strides = [1, 1]} : vector<3x8192xf32> to vector<1x8192xf32>
    %slice3A_9 = vector.extract_strided_slice %get3A_1 {offsets = [1, 0], sizes = [1, 8192], strides = [1, 1]} : vector<3x8192xf32> to vector<1x8192xf32>
    %mul3A_10 = arith.mulf %slice3A_8, %slice3A_9 : vector<1x8192xf32>
    %slice3A_11 = vector.extract_strided_slice %get3A_1 {offsets = [2, 0], sizes = [1, 8192], strides = [1, 1]} : vector<3x8192xf32> to vector<1x8192xf32>
    %slice3A_12 = vector.extract_strided_slice %get3A_1 {offsets = [2, 0], sizes = [1, 8192], strides = [1, 1]} : vector<3x8192xf32> to vector<1x8192xf32>
    %mul3A_13 = arith.mulf %slice3A_11, %slice3A_12 : vector<1x8192xf32>
    %add3A = arith.addf %mul3A_7, %mul3A_13 : vector<1x8192xf32>
    %add3A_14 = arith.addf %add3A, %mul3A_10 : vector<1x8192xf32>
    %slice3A_15 = vector.extract_strided_slice %get3A_5 {offsets = [0, 0], sizes = [1, 128], strides = [1, 1]} : vector<3x128xf32> to vector<1x128xf32>
    %slice3A_16 = vector.extract_strided_slice %get3A_5 {offsets = [0, 0], sizes = [1, 128], strides = [1, 1]} : vector<3x128xf32> to vector<1x128xf32>
    %mul3A_17 = arith.mulf %slice3A_15, %slice3A_16 : vector<1x128xf32>
    %slice3A_18 = vector.extract_strided_slice %get3A_5 {offsets = [1, 0], sizes = [1, 128], strides = [1, 1]} : vector<3x128xf32> to vector<1x128xf32>
    %slice3A_19 = vector.extract_strided_slice %get3A_5 {offsets = [1, 0], sizes = [1, 128], strides = [1, 1]} : vector<3x128xf32> to vector<1x128xf32>
    %mul3A_20 = arith.mulf %slice3A_18, %slice3A_19 : vector<1x128xf32>
    %slice3A_21 = vector.extract_strided_slice %get3A_5 {offsets = [2, 0], sizes = [1, 128], strides = [1, 1]} : vector<3x128xf32> to vector<1x128xf32>
    %slice3A_22 = vector.extract_strided_slice %get3A_5 {offsets = [2, 0], sizes = [1, 128], strides = [1, 1]} : vector<3x128xf32> to vector<1x128xf32>
    %mul3A_23 = arith.mulf %slice3A_21, %slice3A_22 : vector<1x128xf32>
    %add3A_24 = arith.addf %mul3A_17, %mul3A_23 : vector<1x128xf32>
    %add3A_25 = arith.addf %add3A_24, %mul3A_20 : vector<1x128xf32>
    %dot_general3A = arith.constant dense<0.000000e+00> : vector<128x8192xf32>
    %dot_general3A_26 = tpu.matmul %get3A_5, %get3A_1, %dot_general3A {dimension_numbers = #tpu.dot_dimension_numbers<[0], [0], [1], [1], [0, 1, 1, 1], [], []>, transpose_lhs_hint = false} : vector<3x128xf32>, vector<3x8192xf32>, vector<128x8192xf32> -> vector<128x8192xf32>
    %transpose3A = tpu.transpose %add3A_25, [1, 0] : vector<1x128xf32> -> vector<128x1xf32>
    %add3A_27 = vector.broadcast %transpose3A : vector<128x1xf32> to vector<128x8192xf32>
    %add3A_28 = vector.broadcast %add3A_14 : vector<1x8192xf32> to vector<128x8192xf32>
    %add3A_29 = arith.addf %add3A_27, %add3A_28 : vector<128x8192xf32>
    %mul3A_30 = arith.constant 2.000000e+00 : f32
    %mul3A_31 = vector.broadcast %mul3A_30 : f32 to vector<128x8192xf32>
    %mul3A_32 = arith.mulf %mul3A_31, %dot_general3A_26 : vector<128x8192xf32>
    %sub3A = arith.subf %add3A_29, %mul3A_32 : vector<128x8192xf32>
    %iota3A = tpu.iota {dimensions = array<i32: 1>} : vector<128x8192xi32>
    %iota3A_33 = tpu.iota {dimensions = array<i32: 0>} : vector<128x1xi32>
    %mul3A_34 = arith.constant 128 : i32
    %mul3A_35 = arith.muli %arg0, %mul3A_34 : i32
    %add3A_36 = vector.broadcast %mul3A_35 : i32 to vector<128x1xi32>
    %add3A_37 = arith.addi %iota3A_33, %add3A_36 : vector<128x1xi32>
    %reduce_min3A = arith.constant dense<0x7F800000> : vector<128xf32>
    %reduce_min3A_38 = vector.multi_reduction <minimumf>, %sub3A, %reduce_min3A [1] : vector<128x8192xf32> to vector<128xf32>
    %broadcast_in_dim3A = vector.shape_cast %reduce_min3A_38 : vector<128xf32> to vector<128x1xf32>
    %eq3A = vector.broadcast %broadcast_in_dim3A : vector<128x1xf32> to vector<128x8192xf32>
    %eq3A_39 = arith.cmpf oeq, %sub3A, %eq3A : vector<128x8192xf32>
    %jit3A = arith.constant 1073741824 : i32
    %broadcast_in_dim3A_40 = vector.broadcast %jit3A : i32 to vector<128x8192xi32>
    %select_n3A = arith.select %eq3A_39, %iota3A, %broadcast_in_dim3A_40 : vector<128x8192xi1>, vector<128x8192xi32>
    %reduce_min3A_41 = arith.constant dense<2147483647> : vector<128xi32>
    %reduce_min3A_42 = vector.multi_reduction <minsi>, %select_n3A, %reduce_min3A_41 [1] : vector<128x8192xi32> to vector<128xi32>
    %broadcast_in_dim3A_43 = vector.shape_cast %reduce_min3A_42 : vector<128xi32> to vector<128x1xi32>
    %eq3A_44 = vector.broadcast %broadcast_in_dim3A_43 : vector<128x1xi32> to vector<128x8192xi32>
    %eq3A_45 = arith.cmpi eq, %iota3A, %eq3A_44 : vector<128x8192xi32>
    %jit3A_46 = arith.constant 0x7F800000 : f32
    %broadcast_in_dim3A_47 = vector.broadcast %jit3A_46 : f32 to vector<128x8192xf32>
    %select_n3A_48 = arith.select %eq3A_45, %broadcast_in_dim3A_47, %sub3A : vector<128x8192xi1>, vector<128x8192xf32>
    %reduce_min3A_49 = arith.constant dense<0x7F800000> : vector<128xf32>
    %reduce_min3A_50 = vector.multi_reduction <minimumf>, %select_n3A_48, %reduce_min3A_49 [1] : vector<128x8192xf32> to vector<128xf32>
    %broadcast_in_dim3A_51 = vector.shape_cast %reduce_min3A_50 : vector<128xf32> to vector<128x1xf32>
    %eq3A_52 = vector.broadcast %broadcast_in_dim3A_51 : vector<128x1xf32> to vector<128x8192xf32>
    %eq3A_53 = arith.cmpf oeq, %select_n3A_48, %eq3A_52 : vector<128x8192xf32>
    %jit3A_54 = arith.constant 1073741824 : i32
    %broadcast_in_dim3A_55 = vector.broadcast %jit3A_54 : i32 to vector<128x8192xi32>
    %select_n3A_56 = arith.select %eq3A_53, %iota3A, %broadcast_in_dim3A_55 : vector<128x8192xi1>, vector<128x8192xi32>
    %reduce_min3A_57 = arith.constant dense<2147483647> : vector<128xi32>
    %reduce_min3A_58 = vector.multi_reduction <minsi>, %select_n3A_56, %reduce_min3A_57 [1] : vector<128x8192xi32> to vector<128xi32>
    %broadcast_in_dim3A_59 = vector.shape_cast %reduce_min3A_58 : vector<128xi32> to vector<128x1xi32>
    %eq3A_60 = vector.broadcast %broadcast_in_dim3A_59 : vector<128x1xi32> to vector<128x8192xi32>
    %eq3A_61 = arith.cmpi eq, %iota3A, %eq3A_60 : vector<128x8192xi32>
    %jit3A_62 = arith.constant 0x7F800000 : f32
    %broadcast_in_dim3A_63 = vector.broadcast %jit3A_62 : f32 to vector<128x8192xf32>
    %select_n3A_64 = arith.select %eq3A_61, %broadcast_in_dim3A_63, %select_n3A_48 : vector<128x8192xi1>, vector<128x8192xf32>
    %reduce_min3A_65 = arith.constant dense<0x7F800000> : vector<128xf32>
    %reduce_min3A_66 = vector.multi_reduction <minimumf>, %select_n3A_64, %reduce_min3A_65 [1] : vector<128x8192xf32> to vector<128xf32>
    %broadcast_in_dim3A_67 = vector.shape_cast %reduce_min3A_66 : vector<128xf32> to vector<128x1xf32>
    %eq3A_68 = vector.broadcast %broadcast_in_dim3A_67 : vector<128x1xf32> to vector<128x8192xf32>
    %eq3A_69 = arith.cmpf oeq, %select_n3A_64, %eq3A_68 : vector<128x8192xf32>
    %jit3A_70 = arith.constant 1073741824 : i32
    %broadcast_in_dim3A_71 = vector.broadcast %jit3A_70 : i32 to vector<128x8192xi32>
    %select_n3A_72 = arith.select %eq3A_69, %iota3A, %broadcast_in_dim3A_71 : vector<128x8192xi1>, vector<128x8192xi32>
    %reduce_min3A_73 = arith.constant dense<2147483647> : vector<128xi32>
    %reduce_min3A_74 = vector.multi_reduction <minsi>, %select_n3A_72, %reduce_min3A_73 [1] : vector<128x8192xi32> to vector<128xi32>
    %broadcast_in_dim3A_75 = vector.shape_cast %reduce_min3A_74 : vector<128xi32> to vector<128x1xi32>
    %eq3A_76 = vector.broadcast %broadcast_in_dim3A_75 : vector<128x1xi32> to vector<128x8192xi32>
    %eq3A_77 = arith.cmpi eq, %iota3A, %eq3A_76 : vector<128x8192xi32>
    %jit3A_78 = arith.constant 0x7F800000 : f32
    %broadcast_in_dim3A_79 = vector.broadcast %jit3A_78 : f32 to vector<128x8192xf32>
    %select_n3A_80 = arith.select %eq3A_77, %broadcast_in_dim3A_79, %select_n3A_64 : vector<128x8192xi1>, vector<128x8192xf32>
    %reduce_min3A_81 = arith.constant dense<0x7F800000> : vector<128xf32>
    %reduce_min3A_82 = vector.multi_reduction <minimumf>, %select_n3A_80, %reduce_min3A_81 [1] : vector<128x8192xf32> to vector<128xf32>
    %broadcast_in_dim3A_83 = vector.shape_cast %reduce_min3A_82 : vector<128xf32> to vector<128x1xf32>
    %eq3A_84 = vector.broadcast %broadcast_in_dim3A_83 : vector<128x1xf32> to vector<128x8192xf32>
    %eq3A_85 = arith.cmpf oeq, %select_n3A_80, %eq3A_84 : vector<128x8192xf32>
    %jit3A_86 = arith.constant 1073741824 : i32
    %broadcast_in_dim3A_87 = vector.broadcast %jit3A_86 : i32 to vector<128x8192xi32>
    %select_n3A_88 = arith.select %eq3A_85, %iota3A, %broadcast_in_dim3A_87 : vector<128x8192xi1>, vector<128x8192xi32>
    %reduce_min3A_89 = arith.constant dense<2147483647> : vector<128xi32>
    %reduce_min3A_90 = vector.multi_reduction <minsi>, %select_n3A_88, %reduce_min3A_89 [1] : vector<128x8192xi32> to vector<128xi32>
    %broadcast_in_dim3A_91 = vector.shape_cast %reduce_min3A_90 : vector<128xi32> to vector<128x1xi32>
    %eq3A_92 = vector.broadcast %broadcast_in_dim3A_91 : vector<128x1xi32> to vector<128x8192xi32>
    %eq3A_93 = arith.cmpi eq, %iota3A, %eq3A_92 : vector<128x8192xi32>
    %jit3A_94 = arith.constant 0x7F800000 : f32
    %broadcast_in_dim3A_95 = vector.broadcast %jit3A_94 : f32 to vector<128x8192xf32>
    %select_n3A_96 = arith.select %eq3A_93, %broadcast_in_dim3A_95, %select_n3A_80 : vector<128x8192xi1>, vector<128x8192xf32>
    %reduce_min3A_97 = arith.constant dense<0x7F800000> : vector<128xf32>
    %reduce_min3A_98 = vector.multi_reduction <minimumf>, %select_n3A_96, %reduce_min3A_97 [1] : vector<128x8192xf32> to vector<128xf32>
    %broadcast_in_dim3A_99 = vector.shape_cast %reduce_min3A_98 : vector<128xf32> to vector<128x1xf32>
    %eq3A_100 = vector.broadcast %broadcast_in_dim3A_99 : vector<128x1xf32> to vector<128x8192xf32>
    %eq3A_101 = arith.cmpf oeq, %select_n3A_96, %eq3A_100 : vector<128x8192xf32>
    %jit3A_102 = arith.constant 1073741824 : i32
    %broadcast_in_dim3A_103 = vector.broadcast %jit3A_102 : i32 to vector<128x8192xi32>
    %select_n3A_104 = arith.select %eq3A_101, %iota3A, %broadcast_in_dim3A_103 : vector<128x8192xi1>, vector<128x8192xi32>
    %reduce_min3A_105 = arith.constant dense<2147483647> : vector<128xi32>
    %reduce_min3A_106 = vector.multi_reduction <minsi>, %select_n3A_104, %reduce_min3A_105 [1] : vector<128x8192xi32> to vector<128xi32>
    %broadcast_in_dim3A_107 = vector.shape_cast %reduce_min3A_106 : vector<128xi32> to vector<128x1xi32>
    %eq3A_108 = vector.broadcast %broadcast_in_dim3A_107 : vector<128x1xi32> to vector<128x8192xi32>
    %eq3A_109 = arith.cmpi eq, %iota3A, %eq3A_108 : vector<128x8192xi32>
    %jit3A_110 = arith.constant 0x7F800000 : f32
    %broadcast_in_dim3A_111 = vector.broadcast %jit3A_110 : f32 to vector<128x8192xf32>
    %select_n3A_112 = arith.select %eq3A_109, %broadcast_in_dim3A_111, %select_n3A_96 : vector<128x8192xi1>, vector<128x8192xf32>
    %reduce_min3A_113 = arith.constant dense<0x7F800000> : vector<128xf32>
    %reduce_min3A_114 = vector.multi_reduction <minimumf>, %select_n3A_112, %reduce_min3A_113 [1] : vector<128x8192xf32> to vector<128xf32>
    %broadcast_in_dim3A_115 = vector.shape_cast %reduce_min3A_114 : vector<128xf32> to vector<128x1xf32>
    %eq3A_116 = vector.broadcast %broadcast_in_dim3A_115 : vector<128x1xf32> to vector<128x8192xf32>
    %eq3A_117 = arith.cmpf oeq, %select_n3A_112, %eq3A_116 : vector<128x8192xf32>
    %jit3A_118 = arith.constant 1073741824 : i32
    %broadcast_in_dim3A_119 = vector.broadcast %jit3A_118 : i32 to vector<128x8192xi32>
    %select_n3A_120 = arith.select %eq3A_117, %iota3A, %broadcast_in_dim3A_119 : vector<128x8192xi1>, vector<128x8192xi32>
    %reduce_min3A_121 = arith.constant dense<2147483647> : vector<128xi32>
    %reduce_min3A_122 = vector.multi_reduction <minsi>, %select_n3A_120, %reduce_min3A_121 [1] : vector<128x8192xi32> to vector<128xi32>
    %broadcast_in_dim3A_123 = vector.shape_cast %reduce_min3A_122 : vector<128xi32> to vector<128x1xi32>
    %eq3A_124 = vector.broadcast %broadcast_in_dim3A_123 : vector<128x1xi32> to vector<128x8192xi32>
    %eq3A_125 = arith.cmpi eq, %iota3A, %eq3A_124 : vector<128x8192xi32>
    %jit3A_126 = arith.constant 0x7F800000 : f32
    %broadcast_in_dim3A_127 = vector.broadcast %jit3A_126 : f32 to vector<128x8192xf32>
    %select_n3A_128 = arith.select %eq3A_125, %broadcast_in_dim3A_127, %select_n3A_112 : vector<128x8192xi1>, vector<128x8192xf32>
    %reduce_min3A_129 = arith.constant dense<0x7F800000> : vector<128xf32>
    %reduce_min3A_130 = vector.multi_reduction <minimumf>, %select_n3A_128, %reduce_min3A_129 [1] : vector<128x8192xf32> to vector<128xf32>
    %broadcast_in_dim3A_131 = vector.shape_cast %reduce_min3A_130 : vector<128xf32> to vector<128x1xf32>
    %eq3A_132 = vector.broadcast %broadcast_in_dim3A_131 : vector<128x1xf32> to vector<128x8192xf32>
    %eq3A_133 = arith.cmpf oeq, %select_n3A_128, %eq3A_132 : vector<128x8192xf32>
    %jit3A_134 = arith.constant 1073741824 : i32
    %broadcast_in_dim3A_135 = vector.broadcast %jit3A_134 : i32 to vector<128x8192xi32>
    %select_n3A_136 = arith.select %eq3A_133, %iota3A, %broadcast_in_dim3A_135 : vector<128x8192xi1>, vector<128x8192xi32>
    %reduce_min3A_137 = arith.constant dense<2147483647> : vector<128xi32>
    %reduce_min3A_138 = vector.multi_reduction <minsi>, %select_n3A_136, %reduce_min3A_137 [1] : vector<128x8192xi32> to vector<128xi32>
    %broadcast_in_dim3A_139 = vector.shape_cast %reduce_min3A_138 : vector<128xi32> to vector<128x1xi32>
    %eq3A_140 = vector.broadcast %broadcast_in_dim3A_139 : vector<128x1xi32> to vector<128x8192xi32>
    %eq3A_141 = arith.cmpi eq, %iota3A, %eq3A_140 : vector<128x8192xi32>
    %jit3A_142 = arith.constant 0x7F800000 : f32
    %broadcast_in_dim3A_143 = vector.broadcast %jit3A_142 : f32 to vector<128x8192xf32>
    %select_n3A_144 = arith.select %eq3A_141, %broadcast_in_dim3A_143, %select_n3A_128 : vector<128x8192xi1>, vector<128x8192xf32>
    %reduce_min3A_145 = arith.constant dense<0x7F800000> : vector<128xf32>
    %reduce_min3A_146 = vector.multi_reduction <minimumf>, %select_n3A_144, %reduce_min3A_145 [1] : vector<128x8192xf32> to vector<128xf32>
    %broadcast_in_dim3A_147 = vector.shape_cast %reduce_min3A_146 : vector<128xf32> to vector<128x1xf32>
    %eq3A_148 = vector.broadcast %broadcast_in_dim3A_147 : vector<128x1xf32> to vector<128x8192xf32>
    %eq3A_149 = arith.cmpf oeq, %select_n3A_144, %eq3A_148 : vector<128x8192xf32>
    %jit3A_150 = arith.constant 1073741824 : i32
    %broadcast_in_dim3A_151 = vector.broadcast %jit3A_150 : i32 to vector<128x8192xi32>
    %select_n3A_152 = arith.select %eq3A_149, %iota3A, %broadcast_in_dim3A_151 : vector<128x8192xi1>, vector<128x8192xi32>
    %reduce_min3A_153 = arith.constant dense<2147483647> : vector<128xi32>
    %reduce_min3A_154 = vector.multi_reduction <minsi>, %select_n3A_152, %reduce_min3A_153 [1] : vector<128x8192xi32> to vector<128xi32>
    %broadcast_in_dim3A_155 = vector.shape_cast %reduce_min3A_154 : vector<128xi32> to vector<128x1xi32>
    %broadcast_in_dim3A_156 = arith.constant 0 : i32
    %broadcast_in_dim3A_157 = vector.broadcast %broadcast_in_dim3A_156 : i32 to vector<128x7xi32>
    %concatenate3A = tpu.concatenate %add3A_37, %broadcast_in_dim3A_43, %broadcast_in_dim3A_59, %broadcast_in_dim3A_75, %broadcast_in_dim3A_91, %broadcast_in_dim3A_107, %broadcast_in_dim3A_123, %broadcast_in_dim3A_139, %broadcast_in_dim3A_155, %broadcast_in_dim3A_157 in 1 : vector<128x1xi32>, vector<128x1xi32>, vector<128x1xi32>, vector<128x1xi32>, vector<128x1xi32>, vector<128x1xi32>, vector<128x1xi32>, vector<128x1xi32>, vector<128x1xi32>, vector<128x7xi32> -> vector<128x16xi32>
    %swap3A = arith.constant 0 : index
    %swap3A_158 = arith.constant 0 : index
    %swap3A_159 = vector.load %arg2[%swap3A, %swap3A_158] : memref<128x16xi32, #tpu.memory_space<vmem>>, vector<128x16xi32>
    tpu.vector_store %arg2[%swap3A, %swap3A_158], %concatenate3A {strides = array<i32>} : memref<128x16xi32, #tpu.memory_space<vmem>>, vector<128x16xi32>,
    return
  }
  func.func @transform_0(%arg0: i32) -> (i32, i32) {
    %c0_i32 = arith.constant 0 : i32
    %c0_i32_0 = arith.constant 0 : i32
    %c0_i32_1 = arith.constant 0 : i32
    return %c0_i32, %c0_i32_0 : i32, i32
  }
  func.func @transform_1(%arg0: i32) -> (i32, i32) {
    %c0_i32 = arith.constant 0 : i32
    %c0_i32_0 = arith.constant 0 : i32
    return %arg0, %c0_i32 : i32, i32
  }
}

module attributes {stable_mosaic.version = 14 : i64} {
  func.func @_conv_match_kernel(%arg0: i32, %arg1: memref<1x256x128xf32, #tpu.memory_space<vmem>>, %arg2: memref<1x2x256xi32, #tpu.memory_space<vmem>>, %arg3: memref<256x128xi32, #tpu.memory_space<vmem>>) attributes {dimension_semantics = [#tpu.dimension_semantics<arbitrary>], iteration_bounds = array<i64: 64>, scalar_prefetch = 0 : i64, scratch_operands = 0 : i64, tpu.core_type = #tpu.core_type<tc>, window_params = [{transform_indices = @transform_0, window_bounds = array<i64: 1, 256, 128>}, {transform_indices = @transform_1, window_bounds = array<i64: 1, 2, 256>}, {transform_indices = @transform_2, window_bounds = array<i64: 256, 128>}]} {
    %get3A = arith.constant 0 : index
    %get3A_0 = arith.constant 0 : index
    %get3A_1 = arith.constant 0 : index
    %get3A_2 = vector.load %arg1[%get3A, %get3A_0, %get3A_1] : memref<1x256x128xf32, #tpu.memory_space<vmem>>, vector<1x256x128xf32>
    %get3A_3 = vector.shape_cast %get3A_2 : vector<1x256x128xf32> to vector<256x128xf32>
    %get3A_4 = arith.constant 0 : index
    %get3A_5 = arith.constant 0 : index
    %get3A_6 = arith.constant 0 : index
    %get3A_7 = vector.load %arg2[%get3A_4, %get3A_5, %get3A_6] : memref<1x2x256xi32, #tpu.memory_space<vmem>>, vector<1x1x256xi32>
    %get3A_8 = vector.shape_cast %get3A_7 : vector<1x1x256xi32> to vector<1x256xi32>
    %get3A_9 = arith.constant 0 : index
    %get3A_10 = arith.constant 1 : index
    %get3A_11 = arith.constant 0 : index
    %get3A_12 = vector.load %arg2[%get3A_9, %get3A_10, %get3A_11] : memref<1x2x256xi32, #tpu.memory_space<vmem>>, vector<1x1x256xi32>
    %get3A_13 = vector.shape_cast %get3A_12 : vector<1x1x256xi32> to vector<1x256xi32>
    %add3A = arith.addi %get3A_8, %get3A_13 : vector<1x256xi32>
    %sub3A = arith.constant 1 : i32
    %sub3A_14 = vector.broadcast %sub3A : i32 to vector<1x256xi32>
    %sub3A_15 = arith.subi %add3A, %sub3A_14 : vector<1x256xi32>
    %ge3A = arith.constant 0 : i32
    %ge3A_16 = vector.broadcast %ge3A : i32 to vector<1x256xi32>
    %ge3A_17 = arith.cmpi sge, %sub3A_15, %ge3A_16 : vector<1x256xi32>
    %slice3A = vector.extract_strided_slice %get3A_3 {offsets = [0, 3], sizes = [256, 1], strides = [1, 1]} : vector<256x128xf32> to vector<256x1xf32>
    %convert_element_type3A = arith.fptosi %slice3A : vector<256x1xf32> to vector<256x1xi32>
    %transpose3A = tpu.transpose %convert_element_type3A, [1, 0] : vector<256x1xi32> -> vector<1x256xi32>
    %broadcast_in_dim3A = arith.constant 0 : i32
    %broadcast_in_dim3A_18 = vector.broadcast %broadcast_in_dim3A : i32 to vector<256x1xi32>
    %add3A_19 = vector.broadcast %transpose3A : vector<1x256xi32> to vector<256x256xi32>
    %add3A_20 = vector.broadcast %broadcast_in_dim3A_18 : vector<256x1xi32> to vector<256x256xi32>
    %add3A_21 = arith.addi %add3A_19, %add3A_20 : vector<256x256xi32>
    %slice3A_22 = vector.extract_strided_slice %get3A_3 {offsets = [0, 0], sizes = [256, 1], strides = [1, 1]} : vector<256x128xf32> to vector<256x1xf32>
    %slice3A_23 = vector.extract_strided_slice %get3A_3 {offsets = [0, 1], sizes = [256, 1], strides = [1, 1]} : vector<256x128xf32> to vector<256x1xf32>
    %slice3A_24 = vector.extract_strided_slice %get3A_3 {offsets = [0, 2], sizes = [256, 1], strides = [1, 1]} : vector<256x128xf32> to vector<256x1xf32>
    %transpose3A_25 = tpu.transpose %slice3A_22, [1, 0] : vector<256x1xf32> -> vector<1x256xf32>
    %sub3A_26 = vector.broadcast %transpose3A_25 : vector<1x256xf32> to vector<256x256xf32>
    %sub3A_27 = vector.broadcast %slice3A_22 : vector<256x1xf32> to vector<256x256xf32>
    %sub3A_28 = arith.subf %sub3A_26, %sub3A_27 : vector<256x256xf32>
    %transpose3A_29 = tpu.transpose %slice3A_23, [1, 0] : vector<256x1xf32> -> vector<1x256xf32>
    %sub3A_30 = vector.broadcast %transpose3A_29 : vector<1x256xf32> to vector<256x256xf32>
    %sub3A_31 = vector.broadcast %slice3A_23 : vector<256x1xf32> to vector<256x256xf32>
    %sub3A_32 = arith.subf %sub3A_30, %sub3A_31 : vector<256x256xf32>
    %transpose3A_33 = tpu.transpose %slice3A_24, [1, 0] : vector<256x1xf32> -> vector<1x256xf32>
    %sub3A_34 = vector.broadcast %transpose3A_33 : vector<1x256xf32> to vector<256x256xf32>
    %sub3A_35 = vector.broadcast %slice3A_24 : vector<256x1xf32> to vector<256x256xf32>
    %sub3A_36 = arith.subf %sub3A_34, %sub3A_35 : vector<256x256xf32>
    %abs3A = math.absf %sub3A_28 : vector<256x256xf32>
    %le3A = arith.constant 1.000000e+00 : f32
    %le3A_37 = vector.broadcast %le3A : f32 to vector<256x256xf32>
    %le3A_38 = arith.cmpf ole, %abs3A, %le3A_37 : vector<256x256xf32>
    %abs3A_39 = math.absf %sub3A_32 : vector<256x256xf32>
    %le3A_40 = arith.constant 1.000000e+00 : f32
    %le3A_41 = vector.broadcast %le3A_40 : f32 to vector<256x256xf32>
    %le3A_42 = arith.cmpf ole, %abs3A_39, %le3A_41 : vector<256x256xf32>
    %and3A = arith.andi %le3A_38, %le3A_42 : vector<256x256xi1>
    %abs3A_43 = math.absf %sub3A_36 : vector<256x256xf32>
    %le3A_44 = arith.constant 1.000000e+00 : f32
    %le3A_45 = vector.broadcast %le3A_44 : f32 to vector<256x256xf32>
    %le3A_46 = arith.cmpf ole, %abs3A_43, %le3A_45 : vector<256x256xf32>
    %and3A_47 = arith.andi %and3A, %le3A_46 : vector<256x256xi1>
    %and3A_48 = vector.broadcast %ge3A_17 : vector<1x256xi1> to vector<256x256xi1>
    %and3A_49 = arith.andi %and3A_47, %and3A_48 : vector<256x256xi1>
    %add3A_50 = arith.constant 1.000000e+00 : f32
    %add3A_51 = vector.broadcast %add3A_50 : f32 to vector<256x256xf32>
    %add3A_52 = arith.addf %sub3A_28, %add3A_51 : vector<256x256xf32>
    %mul3A = arith.constant 9.000000e+00 : f32
    %mul3A_53 = vector.broadcast %mul3A : f32 to vector<256x256xf32>
    %mul3A_54 = arith.mulf %add3A_52, %mul3A_53 : vector<256x256xf32>
    %add3A_55 = arith.constant 1.000000e+00 : f32
    %add3A_56 = vector.broadcast %add3A_55 : f32 to vector<256x256xf32>
    %add3A_57 = arith.addf %sub3A_32, %add3A_56 : vector<256x256xf32>
    %mul3A_58 = arith.constant 3.000000e+00 : f32
    %mul3A_59 = vector.broadcast %mul3A_58 : f32 to vector<256x256xf32>
    %mul3A_60 = arith.mulf %add3A_57, %mul3A_59 : vector<256x256xf32>
    %add3A_61 = arith.addf %mul3A_54, %mul3A_60 : vector<256x256xf32>
    %add3A_62 = arith.constant 1.000000e+00 : f32
    %add3A_63 = vector.broadcast %add3A_62 : f32 to vector<256x256xf32>
    %add3A_64 = arith.addf %sub3A_36, %add3A_63 : vector<256x256xf32>
    %add3A_65 = arith.addf %add3A_61, %add3A_64 : vector<256x256xf32>
    %eq3A = arith.constant 0.000000e+00 : f32
    %eq3A_66 = vector.broadcast %eq3A : f32 to vector<256x256xf32>
    %eq3A_67 = arith.cmpf oeq, %add3A_65, %eq3A_66 : vector<256x256xf32>
    %and3A_68 = arith.andi %and3A_49, %eq3A_67 : vector<256x256xi1>
    %jit3A = arith.constant 1073741824 : i32
    %broadcast_in_dim3A_69 = vector.broadcast %jit3A : i32 to vector<256x256xi32>
    %select_n3A = arith.select %and3A_68, %add3A_21, %broadcast_in_dim3A_69 : vector<256x256xi1>, vector<256x256xi32>
    %reduce_min3A = arith.constant dense<2147483647> : vector<256xi32>
    %reduce_min3A_70 = vector.multi_reduction <minsi>, %select_n3A, %reduce_min3A [1] : vector<256x256xi32> to vector<256xi32>
    %broadcast_in_dim3A_71 = vector.shape_cast %reduce_min3A_70 : vector<256xi32> to vector<256x1xi32>
    %eq3A_72 = arith.constant 1.000000e+00 : f32
    %eq3A_73 = vector.broadcast %eq3A_72 : f32 to vector<256x256xf32>
    %eq3A_74 = arith.cmpf oeq, %add3A_65, %eq3A_73 : vector<256x256xf32>
    %and3A_75 = arith.andi %and3A_49, %eq3A_74 : vector<256x256xi1>
    %jit3A_76 = arith.constant 1073741824 : i32
    %broadcast_in_dim3A_77 = vector.broadcast %jit3A_76 : i32 to vector<256x256xi32>
    %select_n3A_78 = arith.select %and3A_75, %add3A_21, %broadcast_in_dim3A_77 : vector<256x256xi1>, vector<256x256xi32>
    %reduce_min3A_79 = arith.constant dense<2147483647> : vector<256xi32>
    %reduce_min3A_80 = vector.multi_reduction <minsi>, %select_n3A_78, %reduce_min3A_79 [1] : vector<256x256xi32> to vector<256xi32>
    %broadcast_in_dim3A_81 = vector.shape_cast %reduce_min3A_80 : vector<256xi32> to vector<256x1xi32>
    %eq3A_82 = arith.constant 2.000000e+00 : f32
    %eq3A_83 = vector.broadcast %eq3A_82 : f32 to vector<256x256xf32>
    %eq3A_84 = arith.cmpf oeq, %add3A_65, %eq3A_83 : vector<256x256xf32>
    %and3A_85 = arith.andi %and3A_49, %eq3A_84 : vector<256x256xi1>
    %jit3A_86 = arith.constant 1073741824 : i32
    %broadcast_in_dim3A_87 = vector.broadcast %jit3A_86 : i32 to vector<256x256xi32>
    %select_n3A_88 = arith.select %and3A_85, %add3A_21, %broadcast_in_dim3A_87 : vector<256x256xi1>, vector<256x256xi32>
    %reduce_min3A_89 = arith.constant dense<2147483647> : vector<256xi32>
    %reduce_min3A_90 = vector.multi_reduction <minsi>, %select_n3A_88, %reduce_min3A_89 [1] : vector<256x256xi32> to vector<256xi32>
    %broadcast_in_dim3A_91 = vector.shape_cast %reduce_min3A_90 : vector<256xi32> to vector<256x1xi32>
    %eq3A_92 = arith.constant 3.000000e+00 : f32
    %eq3A_93 = vector.broadcast %eq3A_92 : f32 to vector<256x256xf32>
    %eq3A_94 = arith.cmpf oeq, %add3A_65, %eq3A_93 : vector<256x256xf32>
    %and3A_95 = arith.andi %and3A_49, %eq3A_94 : vector<256x256xi1>
    %jit3A_96 = arith.constant 1073741824 : i32
    %broadcast_in_dim3A_97 = vector.broadcast %jit3A_96 : i32 to vector<256x256xi32>
    %select_n3A_98 = arith.select %and3A_95, %add3A_21, %broadcast_in_dim3A_97 : vector<256x256xi1>, vector<256x256xi32>
    %reduce_min3A_99 = arith.constant dense<2147483647> : vector<256xi32>
    %reduce_min3A_100 = vector.multi_reduction <minsi>, %select_n3A_98, %reduce_min3A_99 [1] : vector<256x256xi32> to vector<256xi32>
    %broadcast_in_dim3A_101 = vector.shape_cast %reduce_min3A_100 : vector<256xi32> to vector<256x1xi32>
    %eq3A_102 = arith.constant 4.000000e+00 : f32
    %eq3A_103 = vector.broadcast %eq3A_102 : f32 to vector<256x256xf32>
    %eq3A_104 = arith.cmpf oeq, %add3A_65, %eq3A_103 : vector<256x256xf32>
    %and3A_105 = arith.andi %and3A_49, %eq3A_104 : vector<256x256xi1>
    %jit3A_106 = arith.constant 1073741824 : i32
    %broadcast_in_dim3A_107 = vector.broadcast %jit3A_106 : i32 to vector<256x256xi32>
    %select_n3A_108 = arith.select %and3A_105, %add3A_21, %broadcast_in_dim3A_107 : vector<256x256xi1>, vector<256x256xi32>
    %reduce_min3A_109 = arith.constant dense<2147483647> : vector<256xi32>
    %reduce_min3A_110 = vector.multi_reduction <minsi>, %select_n3A_108, %reduce_min3A_109 [1] : vector<256x256xi32> to vector<256xi32>
    %broadcast_in_dim3A_111 = vector.shape_cast %reduce_min3A_110 : vector<256xi32> to vector<256x1xi32>
    %eq3A_112 = arith.constant 5.000000e+00 : f32
    %eq3A_113 = vector.broadcast %eq3A_112 : f32 to vector<256x256xf32>
    %eq3A_114 = arith.cmpf oeq, %add3A_65, %eq3A_113 : vector<256x256xf32>
    %and3A_115 = arith.andi %and3A_49, %eq3A_114 : vector<256x256xi1>
    %jit3A_116 = arith.constant 1073741824 : i32
    %broadcast_in_dim3A_117 = vector.broadcast %jit3A_116 : i32 to vector<256x256xi32>
    %select_n3A_118 = arith.select %and3A_115, %add3A_21, %broadcast_in_dim3A_117 : vector<256x256xi1>, vector<256x256xi32>
    %reduce_min3A_119 = arith.constant dense<2147483647> : vector<256xi32>
    %reduce_min3A_120 = vector.multi_reduction <minsi>, %select_n3A_118, %reduce_min3A_119 [1] : vector<256x256xi32> to vector<256xi32>
    %broadcast_in_dim3A_121 = vector.shape_cast %reduce_min3A_120 : vector<256xi32> to vector<256x1xi32>
    %eq3A_122 = arith.constant 6.000000e+00 : f32
    %eq3A_123 = vector.broadcast %eq3A_122 : f32 to vector<256x256xf32>
    %eq3A_124 = arith.cmpf oeq, %add3A_65, %eq3A_123 : vector<256x256xf32>
    %and3A_125 = arith.andi %and3A_49, %eq3A_124 : vector<256x256xi1>
    %jit3A_126 = arith.constant 1073741824 : i32
    %broadcast_in_dim3A_127 = vector.broadcast %jit3A_126 : i32 to vector<256x256xi32>
    %select_n3A_128 = arith.select %and3A_125, %add3A_21, %broadcast_in_dim3A_127 : vector<256x256xi1>, vector<256x256xi32>
    %reduce_min3A_129 = arith.constant dense<2147483647> : vector<256xi32>
    %reduce_min3A_130 = vector.multi_reduction <minsi>, %select_n3A_128, %reduce_min3A_129 [1] : vector<256x256xi32> to vector<256xi32>
    %broadcast_in_dim3A_131 = vector.shape_cast %reduce_min3A_130 : vector<256xi32> to vector<256x1xi32>
    %eq3A_132 = arith.constant 7.000000e+00 : f32
    %eq3A_133 = vector.broadcast %eq3A_132 : f32 to vector<256x256xf32>
    %eq3A_134 = arith.cmpf oeq, %add3A_65, %eq3A_133 : vector<256x256xf32>
    %and3A_135 = arith.andi %and3A_49, %eq3A_134 : vector<256x256xi1>
    %jit3A_136 = arith.constant 1073741824 : i32
    %broadcast_in_dim3A_137 = vector.broadcast %jit3A_136 : i32 to vector<256x256xi32>
    %select_n3A_138 = arith.select %and3A_135, %add3A_21, %broadcast_in_dim3A_137 : vector<256x256xi1>, vector<256x256xi32>
    %reduce_min3A_139 = arith.constant dense<2147483647> : vector<256xi32>
    %reduce_min3A_140 = vector.multi_reduction <minsi>, %select_n3A_138, %reduce_min3A_139 [1] : vector<256x256xi32> to vector<256xi32>
    %broadcast_in_dim3A_141 = vector.shape_cast %reduce_min3A_140 : vector<256xi32> to vector<256x1xi32>
    %eq3A_142 = arith.constant 8.000000e+00 : f32
    %eq3A_143 = vector.broadcast %eq3A_142 : f32 to vector<256x256xf32>
    %eq3A_144 = arith.cmpf oeq, %add3A_65, %eq3A_143 : vector<256x256xf32>
    %and3A_145 = arith.andi %and3A_49, %eq3A_144 : vector<256x256xi1>
    %jit3A_146 = arith.constant 1073741824 : i32
    %broadcast_in_dim3A_147 = vector.broadcast %jit3A_146 : i32 to vector<256x256xi32>
    %select_n3A_148 = arith.select %and3A_145, %add3A_21, %broadcast_in_dim3A_147 : vector<256x256xi1>, vector<256x256xi32>
    %reduce_min3A_149 = arith.constant dense<2147483647> : vector<256xi32>
    %reduce_min3A_150 = vector.multi_reduction <minsi>, %select_n3A_148, %reduce_min3A_149 [1] : vector<256x256xi32> to vector<256xi32>
    %broadcast_in_dim3A_151 = vector.shape_cast %reduce_min3A_150 : vector<256xi32> to vector<256x1xi32>
    %eq3A_152 = arith.constant 9.000000e+00 : f32
    %eq3A_153 = vector.broadcast %eq3A_152 : f32 to vector<256x256xf32>
    %eq3A_154 = arith.cmpf oeq, %add3A_65, %eq3A_153 : vector<256x256xf32>
    %and3A_155 = arith.andi %and3A_49, %eq3A_154 : vector<256x256xi1>
    %jit3A_156 = arith.constant 1073741824 : i32
    %broadcast_in_dim3A_157 = vector.broadcast %jit3A_156 : i32 to vector<256x256xi32>
    %select_n3A_158 = arith.select %and3A_155, %add3A_21, %broadcast_in_dim3A_157 : vector<256x256xi1>, vector<256x256xi32>
    %reduce_min3A_159 = arith.constant dense<2147483647> : vector<256xi32>
    %reduce_min3A_160 = vector.multi_reduction <minsi>, %select_n3A_158, %reduce_min3A_159 [1] : vector<256x256xi32> to vector<256xi32>
    %broadcast_in_dim3A_161 = vector.shape_cast %reduce_min3A_160 : vector<256xi32> to vector<256x1xi32>
    %eq3A_162 = arith.constant 1.000000e+01 : f32
    %eq3A_163 = vector.broadcast %eq3A_162 : f32 to vector<256x256xf32>
    %eq3A_164 = arith.cmpf oeq, %add3A_65, %eq3A_163 : vector<256x256xf32>
    %and3A_165 = arith.andi %and3A_49, %eq3A_164 : vector<256x256xi1>
    %jit3A_166 = arith.constant 1073741824 : i32
    %broadcast_in_dim3A_167 = vector.broadcast %jit3A_166 : i32 to vector<256x256xi32>
    %select_n3A_168 = arith.select %and3A_165, %add3A_21, %broadcast_in_dim3A_167 : vector<256x256xi1>, vector<256x256xi32>
    %reduce_min3A_169 = arith.constant dense<2147483647> : vector<256xi32>
    %reduce_min3A_170 = vector.multi_reduction <minsi>, %select_n3A_168, %reduce_min3A_169 [1] : vector<256x256xi32> to vector<256xi32>
    %broadcast_in_dim3A_171 = vector.shape_cast %reduce_min3A_170 : vector<256xi32> to vector<256x1xi32>
    %eq3A_172 = arith.constant 1.100000e+01 : f32
    %eq3A_173 = vector.broadcast %eq3A_172 : f32 to vector<256x256xf32>
    %eq3A_174 = arith.cmpf oeq, %add3A_65, %eq3A_173 : vector<256x256xf32>
    %and3A_175 = arith.andi %and3A_49, %eq3A_174 : vector<256x256xi1>
    %jit3A_176 = arith.constant 1073741824 : i32
    %broadcast_in_dim3A_177 = vector.broadcast %jit3A_176 : i32 to vector<256x256xi32>
    %select_n3A_178 = arith.select %and3A_175, %add3A_21, %broadcast_in_dim3A_177 : vector<256x256xi1>, vector<256x256xi32>
    %reduce_min3A_179 = arith.constant dense<2147483647> : vector<256xi32>
    %reduce_min3A_180 = vector.multi_reduction <minsi>, %select_n3A_178, %reduce_min3A_179 [1] : vector<256x256xi32> to vector<256xi32>
    %broadcast_in_dim3A_181 = vector.shape_cast %reduce_min3A_180 : vector<256xi32> to vector<256x1xi32>
    %eq3A_182 = arith.constant 1.200000e+01 : f32
    %eq3A_183 = vector.broadcast %eq3A_182 : f32 to vector<256x256xf32>
    %eq3A_184 = arith.cmpf oeq, %add3A_65, %eq3A_183 : vector<256x256xf32>
    %and3A_185 = arith.andi %and3A_49, %eq3A_184 : vector<256x256xi1>
    %jit3A_186 = arith.constant 1073741824 : i32
    %broadcast_in_dim3A_187 = vector.broadcast %jit3A_186 : i32 to vector<256x256xi32>
    %select_n3A_188 = arith.select %and3A_185, %add3A_21, %broadcast_in_dim3A_187 : vector<256x256xi1>, vector<256x256xi32>
    %reduce_min3A_189 = arith.constant dense<2147483647> : vector<256xi32>
    %reduce_min3A_190 = vector.multi_reduction <minsi>, %select_n3A_188, %reduce_min3A_189 [1] : vector<256x256xi32> to vector<256xi32>
    %broadcast_in_dim3A_191 = vector.shape_cast %reduce_min3A_190 : vector<256xi32> to vector<256x1xi32>
    %eq3A_192 = arith.constant 1.300000e+01 : f32
    %eq3A_193 = vector.broadcast %eq3A_192 : f32 to vector<256x256xf32>
    %eq3A_194 = arith.cmpf oeq, %add3A_65, %eq3A_193 : vector<256x256xf32>
    %and3A_195 = arith.andi %and3A_49, %eq3A_194 : vector<256x256xi1>
    %jit3A_196 = arith.constant 1073741824 : i32
    %broadcast_in_dim3A_197 = vector.broadcast %jit3A_196 : i32 to vector<256x256xi32>
    %select_n3A_198 = arith.select %and3A_195, %add3A_21, %broadcast_in_dim3A_197 : vector<256x256xi1>, vector<256x256xi32>
    %reduce_min3A_199 = arith.constant dense<2147483647> : vector<256xi32>
    %reduce_min3A_200 = vector.multi_reduction <minsi>, %select_n3A_198, %reduce_min3A_199 [1] : vector<256x256xi32> to vector<256xi32>
    %broadcast_in_dim3A_201 = vector.shape_cast %reduce_min3A_200 : vector<256xi32> to vector<256x1xi32>
    %eq3A_202 = arith.constant 1.400000e+01 : f32
    %eq3A_203 = vector.broadcast %eq3A_202 : f32 to vector<256x256xf32>
    %eq3A_204 = arith.cmpf oeq, %add3A_65, %eq3A_203 : vector<256x256xf32>
    %and3A_205 = arith.andi %and3A_49, %eq3A_204 : vector<256x256xi1>
    %jit3A_206 = arith.constant 1073741824 : i32
    %broadcast_in_dim3A_207 = vector.broadcast %jit3A_206 : i32 to vector<256x256xi32>
    %select_n3A_208 = arith.select %and3A_205, %add3A_21, %broadcast_in_dim3A_207 : vector<256x256xi1>, vector<256x256xi32>
    %reduce_min3A_209 = arith.constant dense<2147483647> : vector<256xi32>
    %reduce_min3A_210 = vector.multi_reduction <minsi>, %select_n3A_208, %reduce_min3A_209 [1] : vector<256x256xi32> to vector<256xi32>
    %broadcast_in_dim3A_211 = vector.shape_cast %reduce_min3A_210 : vector<256xi32> to vector<256x1xi32>
    %eq3A_212 = arith.constant 1.500000e+01 : f32
    %eq3A_213 = vector.broadcast %eq3A_212 : f32 to vector<256x256xf32>
    %eq3A_214 = arith.cmpf oeq, %add3A_65, %eq3A_213 : vector<256x256xf32>
    %and3A_215 = arith.andi %and3A_49, %eq3A_214 : vector<256x256xi1>
    %jit3A_216 = arith.constant 1073741824 : i32
    %broadcast_in_dim3A_217 = vector.broadcast %jit3A_216 : i32 to vector<256x256xi32>
    %select_n3A_218 = arith.select %and3A_215, %add3A_21, %broadcast_in_dim3A_217 : vector<256x256xi1>, vector<256x256xi32>
    %reduce_min3A_219 = arith.constant dense<2147483647> : vector<256xi32>
    %reduce_min3A_220 = vector.multi_reduction <minsi>, %select_n3A_218, %reduce_min3A_219 [1] : vector<256x256xi32> to vector<256xi32>
    %broadcast_in_dim3A_221 = vector.shape_cast %reduce_min3A_220 : vector<256xi32> to vector<256x1xi32>
    %eq3A_222 = arith.constant 1.600000e+01 : f32
    %eq3A_223 = vector.broadcast %eq3A_222 : f32 to vector<256x256xf32>
    %eq3A_224 = arith.cmpf oeq, %add3A_65, %eq3A_223 : vector<256x256xf32>
    %and3A_225 = arith.andi %and3A_49, %eq3A_224 : vector<256x256xi1>
    %jit3A_226 = arith.constant 1073741824 : i32
    %broadcast_in_dim3A_227 = vector.broadcast %jit3A_226 : i32 to vector<256x256xi32>
    %select_n3A_228 = arith.select %and3A_225, %add3A_21, %broadcast_in_dim3A_227 : vector<256x256xi1>, vector<256x256xi32>
    %reduce_min3A_229 = arith.constant dense<2147483647> : vector<256xi32>
    %reduce_min3A_230 = vector.multi_reduction <minsi>, %select_n3A_228, %reduce_min3A_229 [1] : vector<256x256xi32> to vector<256xi32>
    %broadcast_in_dim3A_231 = vector.shape_cast %reduce_min3A_230 : vector<256xi32> to vector<256x1xi32>
    %eq3A_232 = arith.constant 1.700000e+01 : f32
    %eq3A_233 = vector.broadcast %eq3A_232 : f32 to vector<256x256xf32>
    %eq3A_234 = arith.cmpf oeq, %add3A_65, %eq3A_233 : vector<256x256xf32>
    %and3A_235 = arith.andi %and3A_49, %eq3A_234 : vector<256x256xi1>
    %jit3A_236 = arith.constant 1073741824 : i32
    %broadcast_in_dim3A_237 = vector.broadcast %jit3A_236 : i32 to vector<256x256xi32>
    %select_n3A_238 = arith.select %and3A_235, %add3A_21, %broadcast_in_dim3A_237 : vector<256x256xi1>, vector<256x256xi32>
    %reduce_min3A_239 = arith.constant dense<2147483647> : vector<256xi32>
    %reduce_min3A_240 = vector.multi_reduction <minsi>, %select_n3A_238, %reduce_min3A_239 [1] : vector<256x256xi32> to vector<256xi32>
    %broadcast_in_dim3A_241 = vector.shape_cast %reduce_min3A_240 : vector<256xi32> to vector<256x1xi32>
    %eq3A_242 = arith.constant 1.800000e+01 : f32
    %eq3A_243 = vector.broadcast %eq3A_242 : f32 to vector<256x256xf32>
    %eq3A_244 = arith.cmpf oeq, %add3A_65, %eq3A_243 : vector<256x256xf32>
    %and3A_245 = arith.andi %and3A_49, %eq3A_244 : vector<256x256xi1>
    %jit3A_246 = arith.constant 1073741824 : i32
    %broadcast_in_dim3A_247 = vector.broadcast %jit3A_246 : i32 to vector<256x256xi32>
    %select_n3A_248 = arith.select %and3A_245, %add3A_21, %broadcast_in_dim3A_247 : vector<256x256xi1>, vector<256x256xi32>
    %reduce_min3A_249 = arith.constant dense<2147483647> : vector<256xi32>
    %reduce_min3A_250 = vector.multi_reduction <minsi>, %select_n3A_248, %reduce_min3A_249 [1] : vector<256x256xi32> to vector<256xi32>
    %broadcast_in_dim3A_251 = vector.shape_cast %reduce_min3A_250 : vector<256xi32> to vector<256x1xi32>
    %eq3A_252 = arith.constant 1.900000e+01 : f32
    %eq3A_253 = vector.broadcast %eq3A_252 : f32 to vector<256x256xf32>
    %eq3A_254 = arith.cmpf oeq, %add3A_65, %eq3A_253 : vector<256x256xf32>
    %and3A_255 = arith.andi %and3A_49, %eq3A_254 : vector<256x256xi1>
    %jit3A_256 = arith.constant 1073741824 : i32
    %broadcast_in_dim3A_257 = vector.broadcast %jit3A_256 : i32 to vector<256x256xi32>
    %select_n3A_258 = arith.select %and3A_255, %add3A_21, %broadcast_in_dim3A_257 : vector<256x256xi1>, vector<256x256xi32>
    %reduce_min3A_259 = arith.constant dense<2147483647> : vector<256xi32>
    %reduce_min3A_260 = vector.multi_reduction <minsi>, %select_n3A_258, %reduce_min3A_259 [1] : vector<256x256xi32> to vector<256xi32>
    %broadcast_in_dim3A_261 = vector.shape_cast %reduce_min3A_260 : vector<256xi32> to vector<256x1xi32>
    %eq3A_262 = arith.constant 2.000000e+01 : f32
    %eq3A_263 = vector.broadcast %eq3A_262 : f32 to vector<256x256xf32>
    %eq3A_264 = arith.cmpf oeq, %add3A_65, %eq3A_263 : vector<256x256xf32>
    %and3A_265 = arith.andi %and3A_49, %eq3A_264 : vector<256x256xi1>
    %jit3A_266 = arith.constant 1073741824 : i32
    %broadcast_in_dim3A_267 = vector.broadcast %jit3A_266 : i32 to vector<256x256xi32>
    %select_n3A_268 = arith.select %and3A_265, %add3A_21, %broadcast_in_dim3A_267 : vector<256x256xi1>, vector<256x256xi32>
    %reduce_min3A_269 = arith.constant dense<2147483647> : vector<256xi32>
    %reduce_min3A_270 = vector.multi_reduction <minsi>, %select_n3A_268, %reduce_min3A_269 [1] : vector<256x256xi32> to vector<256xi32>
    %broadcast_in_dim3A_271 = vector.shape_cast %reduce_min3A_270 : vector<256xi32> to vector<256x1xi32>
    %eq3A_272 = arith.constant 2.100000e+01 : f32
    %eq3A_273 = vector.broadcast %eq3A_272 : f32 to vector<256x256xf32>
    %eq3A_274 = arith.cmpf oeq, %add3A_65, %eq3A_273 : vector<256x256xf32>
    %and3A_275 = arith.andi %and3A_49, %eq3A_274 : vector<256x256xi1>
    %jit3A_276 = arith.constant 1073741824 : i32
    %broadcast_in_dim3A_277 = vector.broadcast %jit3A_276 : i32 to vector<256x256xi32>
    %select_n3A_278 = arith.select %and3A_275, %add3A_21, %broadcast_in_dim3A_277 : vector<256x256xi1>, vector<256x256xi32>
    %reduce_min3A_279 = arith.constant dense<2147483647> : vector<256xi32>
    %reduce_min3A_280 = vector.multi_reduction <minsi>, %select_n3A_278, %reduce_min3A_279 [1] : vector<256x256xi32> to vector<256xi32>
    %broadcast_in_dim3A_281 = vector.shape_cast %reduce_min3A_280 : vector<256xi32> to vector<256x1xi32>
    %eq3A_282 = arith.constant 2.200000e+01 : f32
    %eq3A_283 = vector.broadcast %eq3A_282 : f32 to vector<256x256xf32>
    %eq3A_284 = arith.cmpf oeq, %add3A_65, %eq3A_283 : vector<256x256xf32>
    %and3A_285 = arith.andi %and3A_49, %eq3A_284 : vector<256x256xi1>
    %jit3A_286 = arith.constant 1073741824 : i32
    %broadcast_in_dim3A_287 = vector.broadcast %jit3A_286 : i32 to vector<256x256xi32>
    %select_n3A_288 = arith.select %and3A_285, %add3A_21, %broadcast_in_dim3A_287 : vector<256x256xi1>, vector<256x256xi32>
    %reduce_min3A_289 = arith.constant dense<2147483647> : vector<256xi32>
    %reduce_min3A_290 = vector.multi_reduction <minsi>, %select_n3A_288, %reduce_min3A_289 [1] : vector<256x256xi32> to vector<256xi32>
    %broadcast_in_dim3A_291 = vector.shape_cast %reduce_min3A_290 : vector<256xi32> to vector<256x1xi32>
    %eq3A_292 = arith.constant 2.300000e+01 : f32
    %eq3A_293 = vector.broadcast %eq3A_292 : f32 to vector<256x256xf32>
    %eq3A_294 = arith.cmpf oeq, %add3A_65, %eq3A_293 : vector<256x256xf32>
    %and3A_295 = arith.andi %and3A_49, %eq3A_294 : vector<256x256xi1>
    %jit3A_296 = arith.constant 1073741824 : i32
    %broadcast_in_dim3A_297 = vector.broadcast %jit3A_296 : i32 to vector<256x256xi32>
    %select_n3A_298 = arith.select %and3A_295, %add3A_21, %broadcast_in_dim3A_297 : vector<256x256xi1>, vector<256x256xi32>
    %reduce_min3A_299 = arith.constant dense<2147483647> : vector<256xi32>
    %reduce_min3A_300 = vector.multi_reduction <minsi>, %select_n3A_298, %reduce_min3A_299 [1] : vector<256x256xi32> to vector<256xi32>
    %broadcast_in_dim3A_301 = vector.shape_cast %reduce_min3A_300 : vector<256xi32> to vector<256x1xi32>
    %eq3A_302 = arith.constant 2.400000e+01 : f32
    %eq3A_303 = vector.broadcast %eq3A_302 : f32 to vector<256x256xf32>
    %eq3A_304 = arith.cmpf oeq, %add3A_65, %eq3A_303 : vector<256x256xf32>
    %and3A_305 = arith.andi %and3A_49, %eq3A_304 : vector<256x256xi1>
    %jit3A_306 = arith.constant 1073741824 : i32
    %broadcast_in_dim3A_307 = vector.broadcast %jit3A_306 : i32 to vector<256x256xi32>
    %select_n3A_308 = arith.select %and3A_305, %add3A_21, %broadcast_in_dim3A_307 : vector<256x256xi1>, vector<256x256xi32>
    %reduce_min3A_309 = arith.constant dense<2147483647> : vector<256xi32>
    %reduce_min3A_310 = vector.multi_reduction <minsi>, %select_n3A_308, %reduce_min3A_309 [1] : vector<256x256xi32> to vector<256xi32>
    %broadcast_in_dim3A_311 = vector.shape_cast %reduce_min3A_310 : vector<256xi32> to vector<256x1xi32>
    %eq3A_312 = arith.constant 2.500000e+01 : f32
    %eq3A_313 = vector.broadcast %eq3A_312 : f32 to vector<256x256xf32>
    %eq3A_314 = arith.cmpf oeq, %add3A_65, %eq3A_313 : vector<256x256xf32>
    %and3A_315 = arith.andi %and3A_49, %eq3A_314 : vector<256x256xi1>
    %jit3A_316 = arith.constant 1073741824 : i32
    %broadcast_in_dim3A_317 = vector.broadcast %jit3A_316 : i32 to vector<256x256xi32>
    %select_n3A_318 = arith.select %and3A_315, %add3A_21, %broadcast_in_dim3A_317 : vector<256x256xi1>, vector<256x256xi32>
    %reduce_min3A_319 = arith.constant dense<2147483647> : vector<256xi32>
    %reduce_min3A_320 = vector.multi_reduction <minsi>, %select_n3A_318, %reduce_min3A_319 [1] : vector<256x256xi32> to vector<256xi32>
    %broadcast_in_dim3A_321 = vector.shape_cast %reduce_min3A_320 : vector<256xi32> to vector<256x1xi32>
    %eq3A_322 = arith.constant 2.600000e+01 : f32
    %eq3A_323 = vector.broadcast %eq3A_322 : f32 to vector<256x256xf32>
    %eq3A_324 = arith.cmpf oeq, %add3A_65, %eq3A_323 : vector<256x256xf32>
    %and3A_325 = arith.andi %and3A_49, %eq3A_324 : vector<256x256xi1>
    %jit3A_326 = arith.constant 1073741824 : i32
    %broadcast_in_dim3A_327 = vector.broadcast %jit3A_326 : i32 to vector<256x256xi32>
    %select_n3A_328 = arith.select %and3A_325, %add3A_21, %broadcast_in_dim3A_327 : vector<256x256xi1>, vector<256x256xi32>
    %reduce_min3A_329 = arith.constant dense<2147483647> : vector<256xi32>
    %reduce_min3A_330 = vector.multi_reduction <minsi>, %select_n3A_328, %reduce_min3A_329 [1] : vector<256x256xi32> to vector<256xi32>
    %broadcast_in_dim3A_331 = vector.shape_cast %reduce_min3A_330 : vector<256xi32> to vector<256x1xi32>
    %broadcast_in_dim3A_332 = arith.constant 1073741824 : i32
    %broadcast_in_dim3A_333 = vector.broadcast %broadcast_in_dim3A_332 : i32 to vector<256x5xi32>
    %concatenate3A = tpu.concatenate %broadcast_in_dim3A_71, %broadcast_in_dim3A_81, %broadcast_in_dim3A_91, %broadcast_in_dim3A_101, %broadcast_in_dim3A_111, %broadcast_in_dim3A_121, %broadcast_in_dim3A_131, %broadcast_in_dim3A_141, %broadcast_in_dim3A_151, %broadcast_in_dim3A_161, %broadcast_in_dim3A_171, %broadcast_in_dim3A_181, %broadcast_in_dim3A_191, %broadcast_in_dim3A_201, %broadcast_in_dim3A_211, %broadcast_in_dim3A_221, %broadcast_in_dim3A_231, %broadcast_in_dim3A_241, %broadcast_in_dim3A_251, %broadcast_in_dim3A_261, %broadcast_in_dim3A_271, %broadcast_in_dim3A_281, %broadcast_in_dim3A_291, %broadcast_in_dim3A_301, %broadcast_in_dim3A_311, %broadcast_in_dim3A_321, %broadcast_in_dim3A_331, %broadcast_in_dim3A_333 in 1 : vector<256x1xi32>, vector<256x1xi32>, vector<256x1xi32>, vector<256x1xi32>, vector<256x1xi32>, vector<256x1xi32>, vector<256x1xi32>, vector<256x1xi32>, vector<256x1xi32>, vector<256x1xi32>, vector<256x1xi32>, vector<256x1xi32>, vector<256x1xi32>, vector<256x1xi32>, vector<256x1xi32>, vector<256x1xi32>, vector<256x1xi32>, vector<256x1xi32>, vector<256x1xi32>, vector<256x1xi32>, vector<256x1xi32>, vector<256x1xi32>, vector<256x1xi32>, vector<256x1xi32>, vector<256x1xi32>, vector<256x1xi32>, vector<256x1xi32>, vector<256x5xi32> -> vector<256x32xi32>
    %lt3A = arith.constant 8192 : i32
    %lt3A_334 = vector.broadcast %lt3A : i32 to vector<256x32xi32>
    %lt3A_335 = arith.cmpi slt, %concatenate3A, %lt3A_334 : vector<256x32xi32>
    %broadcast_in_dim3A_336 = vector.shape_cast %convert_element_type3A : vector<256x1xi32> to vector<256x1xi32>
    %broadcast_in_dim3A_337 = vector.broadcast %broadcast_in_dim3A_336 : vector<256x1xi32> to vector<256x32xi32>
    %select_n3A_338 = arith.select %lt3A_335, %concatenate3A, %broadcast_in_dim3A_337 : vector<256x32xi1>, vector<256x32xi32>
    %convert_element_type3A_339 = arith.extui %lt3A_335 : vector<256x32xi1> to vector<256x32xi32>
    %broadcast_in_dim3A_340 = arith.constant 0 : i32
    %broadcast_in_dim3A_341 = vector.broadcast %broadcast_in_dim3A_340 : i32 to vector<256x64xi32>
    %concatenate3A_342 = tpu.concatenate %select_n3A_338, %convert_element_type3A_339, %broadcast_in_dim3A_341 in 1 : vector<256x32xi32>, vector<256x32xi32>, vector<256x64xi32> -> vector<256x128xi32>
    %swap3A = arith.constant 0 : index
    %swap3A_343 = arith.constant 0 : index
    %swap3A_344 = vector.load %arg3[%swap3A, %swap3A_343] : memref<256x128xi32, #tpu.memory_space<vmem>>, vector<256x128xi32>
    tpu.vector_store %arg3[%swap3A, %swap3A_343], %concatenate3A_342 {strides = array<i32>} : memref<256x128xi32, #tpu.memory_space<vmem>>, vector<256x128xi32>,
    return
  }
  func.func @transform_0(%arg0: i32) -> (i32, i32, i32) {
    %c0_i32 = arith.constant 0 : i32
    %c0_i32_0 = arith.constant 0 : i32
    %c0_i32_1 = arith.constant 0 : i32
    return %arg0, %c0_i32, %c0_i32_0 : i32, i32, i32
  }
  func.func @transform_1(%arg0: i32) -> (i32, i32, i32) {
    %c0_i32 = arith.constant 0 : i32
    %c0_i32_0 = arith.constant 0 : i32
    %c0_i32_1 = arith.constant 0 : i32
    return %arg0, %c0_i32, %c0_i32_0 : i32, i32, i32
  }
  func.func @transform_2(%arg0: i32) -> (i32, i32) {
    %c0_i32 = arith.constant 0 : i32
    %c0_i32_0 = arith.constant 0 : i32
    return %arg0, %c0_i32 : i32, i32
  }
}

module attributes {stable_mosaic.version = 14 : i64} {
  func.func @_mlp1_kernel(%arg0: i32, %arg1: memref<256x1152xf32, #tpu.memory_space<vmem>>, %arg2: memref<1152x128xf32, #tpu.memory_space<vmem>>, %arg3: memref<1x128xf32, #tpu.memory_space<vmem>>, %arg4: memref<256x128xf32, #tpu.memory_space<vmem>>, %arg5: memref<8x128xf32, #tpu.memory_space<vmem>>) attributes {dimension_semantics = [#tpu.dimension_semantics<arbitrary>], iteration_bounds = array<i64: 32>, scalar_prefetch = 0 : i64, scratch_operands = 0 : i64, tpu.core_type = #tpu.core_type<tc>, window_params = [{transform_indices = @transform_0, window_bounds = array<i64: 256, 1152>}, {pipeline_mode = #tpu.pipeline_mode<synchronous>, transform_indices = @transform_1, window_bounds = array<i64: 1152, 128>}, {pipeline_mode = #tpu.pipeline_mode<synchronous>, transform_indices = @transform_2, window_bounds = array<i64: 1, 128>}, {transform_indices = @transform_3, window_bounds = array<i64: 256, 128>}, {pipeline_mode = #tpu.pipeline_mode<synchronous>, transform_indices = @transform_4, window_bounds = array<i64: 8, 128>}]} {
    %get3A = arith.constant 0 : index
    %get3A_0 = arith.constant 0 : index
    %get3A_1 = vector.load %arg1[%get3A, %get3A_0] : memref<256x1152xf32, #tpu.memory_space<vmem>>, vector<256x1152xf32>
    %get3A_2 = arith.constant 0 : index
    %get3A_3 = arith.constant 0 : index
    %get3A_4 = vector.load %arg2[%get3A_2, %get3A_3] : memref<1152x128xf32, #tpu.memory_space<vmem>>, vector<1152x128xf32>
    %dot_general3A = arith.constant dense<0.000000e+00> : vector<256x128xf32>
    %dot_general3A_5 = tpu.matmul %get3A_1, %get3A_4, %dot_general3A {dimension_numbers = #tpu.dot_dimension_numbers<[1], [0], [0], [1], [0, 0, 1, 1], [], []>, transpose_lhs_hint = false} : vector<256x1152xf32>, vector<1152x128xf32>, vector<256x128xf32> -> vector<256x128xf32>
    %get3A_6 = arith.constant 0 : index
    %get3A_7 = arith.constant 0 : index
    %get3A_8 = vector.load %arg3[%get3A_6, %get3A_7] : memref<1x128xf32, #tpu.memory_space<vmem>>, vector<1x128xf32>
    %add3A = vector.broadcast %get3A_8 : vector<1x128xf32> to vector<256x128xf32>
    %add3A_9 = arith.addf %dot_general3A_5, %add3A : vector<256x128xf32>
    %swap3A = arith.constant 0 : index
    %swap3A_10 = arith.constant 0 : index
    %swap3A_11 = vector.load %arg4[%swap3A, %swap3A_10] : memref<256x128xf32, #tpu.memory_space<vmem>>, vector<256x128xf32>
    tpu.vector_store %arg4[%swap3A, %swap3A_10], %add3A_9 {strides = array<i32>} : memref<256x128xf32, #tpu.memory_space<vmem>>, vector<256x128xf32>,
    %reduce_sum3A = arith.constant dense<0.000000e+00> : vector<128xf32>
    %reduce_sum3A_12 = vector.multi_reduction <add>, %add3A_9, %reduce_sum3A [0] : vector<256x128xf32> to vector<128xf32>
    %broadcast_in_dim3A = vector.shape_cast %reduce_sum3A_12 : vector<128xf32> to vector<1x128xf32>
    %mul3A = arith.mulf %add3A_9, %add3A_9 : vector<256x128xf32>
    %reduce_sum3A_13 = arith.constant dense<0.000000e+00> : vector<128xf32>
    %reduce_sum3A_14 = vector.multi_reduction <add>, %mul3A, %reduce_sum3A_13 [0] : vector<256x128xf32> to vector<128xf32>
    %broadcast_in_dim3A_15 = vector.shape_cast %reduce_sum3A_14 : vector<128xf32> to vector<1x128xf32>
    %broadcast_in_dim3A_16 = arith.constant 0.000000e+00 : f32
    %broadcast_in_dim3A_17 = vector.broadcast %broadcast_in_dim3A_16 : f32 to vector<6x128xf32>
    %concatenate3A = tpu.concatenate %broadcast_in_dim3A, %broadcast_in_dim3A_15, %broadcast_in_dim3A_17 in 0 : vector<1x128xf32>, vector<1x128xf32>, vector<6x128xf32> -> vector<8x128xf32>
    %eq3A = arith.constant 0 : i32
    %eq3A_18 = arith.cmpi eq, %arg0, %eq3A : i32
    %convert_element_type3A = arith.extui %eq3A_18 : i1 to i32
    %cond3A = arith.constant 0 : i32
    %cond3A_19 = arith.cmpi ne, %convert_element_type3A, %cond3A : i32
    scf.if %cond3A_19 {
      %broadcast_in_dim3A_27 = arith.constant 0.000000e+00 : f32
      %broadcast_in_dim3A_28 = vector.broadcast %broadcast_in_dim3A_27 : f32 to vector<8x128xf32>
      %swap3A_29 = arith.constant 0 : index
      %swap3A_30 = arith.constant 0 : index
      %swap3A_31 = vector.load %arg5[%swap3A_29, %swap3A_30] : memref<8x128xf32, #tpu.memory_space<vmem>>, vector<8x128xf32>
      tpu.vector_store %arg5[%swap3A_29, %swap3A_30], %broadcast_in_dim3A_28 {strides = array<i32>} : memref<8x128xf32, #tpu.memory_space<vmem>>, vector<8x128xf32>,
    } else {
    }
    %get3A_20 = arith.constant 0 : index
    %get3A_21 = arith.constant 0 : index
    %get3A_22 = vector.load %arg5[%get3A_20, %get3A_21] : memref<8x128xf32, #tpu.memory_space<vmem>>, vector<8x128xf32>
    %add3A_23 = arith.addf %get3A_22, %concatenate3A : vector<8x128xf32>
    %swap3A_24 = arith.constant 0 : index
    %swap3A_25 = arith.constant 0 : index
    %swap3A_26 = vector.load %arg5[%swap3A_24, %swap3A_25] : memref<8x128xf32, #tpu.memory_space<vmem>>, vector<8x128xf32>
    tpu.vector_store %arg5[%swap3A_24, %swap3A_25], %add3A_23 {strides = array<i32>} : memref<8x128xf32, #tpu.memory_space<vmem>>, vector<8x128xf32>,
    return
  }
  func.func @transform_0(%arg0: i32) -> (i32, i32) {
    %c0_i32 = arith.constant 0 : i32
    %c0_i32_0 = arith.constant 0 : i32
    return %arg0, %c0_i32 : i32, i32
  }
  func.func @transform_1(%arg0: i32) -> (i32, i32) {
    %c0_i32 = arith.constant 0 : i32
    %c0_i32_0 = arith.constant 0 : i32
    %c0_i32_1 = arith.constant 0 : i32
    return %c0_i32, %c0_i32_0 : i32, i32
  }
  func.func @transform_2(%arg0: i32) -> (i32, i32) {
    %c0_i32 = arith.constant 0 : i32
    %c0_i32_0 = arith.constant 0 : i32
    %c0_i32_1 = arith.constant 0 : i32
    return %c0_i32, %c0_i32_0 : i32, i32
  }
  func.func @transform_3(%arg0: i32) -> (i32, i32) {
    %c0_i32 = arith.constant 0 : i32
    %c0_i32_0 = arith.constant 0 : i32
    return %arg0, %c0_i32 : i32, i32
  }
  func.func @transform_4(%arg0: i32) -> (i32, i32) {
    %c0_i32 = arith.constant 0 : i32
    %c0_i32_0 = arith.constant 0 : i32
    %c0_i32_1 = arith.constant 0 : i32
    return %c0_i32, %c0_i32_0 : i32, i32
  }
}

module attributes {stable_mosaic.version = 14 : i64} {
  func.func @_conv_kernel(%arg0: i32, %arg1: i32, %arg2: memref<1x256x128xf32, #tpu.memory_space<vmem>>, %arg3: memref<1x1x256xf32, #tpu.memory_space<vmem>>, %arg4: memref<1x128x128xf32, #tpu.memory_space<vmem>>, %arg5: memref<1x128xf32, #tpu.memory_space<vmem>>, %arg6: memref<8x128xf32, #tpu.memory_space<vmem>>, %arg7: memref<1x128xf32, #tpu.memory_space<vmem>>, %arg8: memref<1x128xf32, #tpu.memory_space<vmem>>, %arg9: memref<256x128xf32, #tpu.memory_space<vmem>>, %arg10: memref<8x128xf32, #tpu.memory_space<vmem>>, %arg11: memref<256x128xf32, #tpu.memory_space<vmem>>) attributes {dimension_semantics = [#tpu.dimension_semantics<arbitrary>, #tpu.dimension_semantics<arbitrary>], iteration_bounds = array<i64: 32, 27>, scalar_prefetch = 0 : i64, scratch_operands = 1 : i64, tpu.core_type = #tpu.core_type<tc>, window_params = [{transform_indices = @transform_0, window_bounds = array<i64: 1, 256, 128>}, {transform_indices = @transform_1, window_bounds = array<i64: 1, 1, 256>}, {transform_indices = @transform_2, window_bounds = array<i64: 1, 128, 128>}, {pipeline_mode = #tpu.pipeline_mode<synchronous>, transform_indices = @transform_3, window_bounds = array<i64: 1, 128>}, {pipeline_mode = #tpu.pipeline_mode<synchronous>, transform_indices = @transform_4, window_bounds = array<i64: 8, 128>}, {pipeline_mode = #tpu.pipeline_mode<synchronous>, transform_indices = @transform_5, window_bounds = array<i64: 1, 128>}, {pipeline_mode = #tpu.pipeline_mode<synchronous>, transform_indices = @transform_6, window_bounds = array<i64: 1, 128>}, {transform_indices = @transform_7, window_bounds = array<i64: 256, 128>}, {pipeline_mode = #tpu.pipeline_mode<synchronous>, transform_indices = @transform_8, window_bounds = array<i64: 8, 128>}]} {
    %get3A = arith.constant 0 : index
    %get3A_0 = arith.constant 0 : index
    %get3A_1 = vector.load %arg6[%get3A, %get3A_0] : memref<8x128xf32, #tpu.memory_space<vmem>>, vector<8x128xf32>
    %slice3A = vector.extract_strided_slice %get3A_1 {offsets = [0, 0], sizes = [1, 128], strides = [1, 1]} : vector<8x128xf32> to vector<1x128xf32>
    %div3A = arith.constant 8.192000e+03 : f32
    %div3A_2 = vector.broadcast %div3A : f32 to vector<1x128xf32>
    %div3A_3 = arith.divf %slice3A, %div3A_2 : vector<1x128xf32>
    %slice3A_4 = vector.extract_strided_slice %get3A_1 {offsets = [1, 0], sizes = [1, 128], strides = [1, 1]} : vector<8x128xf32> to vector<1x128xf32>
    %div3A_5 = arith.constant 8.192000e+03 : f32
    %div3A_6 = vector.broadcast %div3A_5 : f32 to vector<1x128xf32>
    %div3A_7 = arith.divf %slice3A_4, %div3A_6 : vector<1x128xf32>
    %mul3A = arith.mulf %div3A_3, %div3A_3 : vector<1x128xf32>
    %sub3A = arith.subf %div3A_7, %mul3A : vector<1x128xf32>
    %max3A = arith.constant 0.000000e+00 : f32
    %max3A_8 = vector.broadcast %max3A : f32 to vector<1x128xf32>
    %max3A_9 = arith.maximumf %sub3A, %max3A_8 : vector<1x128xf32>
    %get3A_10 = arith.constant 0 : index
    %get3A_11 = arith.constant 0 : index
    %get3A_12 = vector.load %arg7[%get3A_10, %get3A_11] : memref<1x128xf32, #tpu.memory_space<vmem>>, vector<1x128xf32>
    %add3A = arith.constant 9.99999974E-6 : f32
    %add3A_13 = vector.broadcast %add3A : f32 to vector<1x128xf32>
    %add3A_14 = arith.addf %max3A_9, %add3A_13 : vector<1x128xf32>
    %rsqrt3A = math.rsqrt %add3A_14 : vector<1x128xf32>
    %mul3A_15 = arith.mulf %get3A_12, %rsqrt3A : vector<1x128xf32>
    %get3A_16 = arith.constant 0 : index
    %get3A_17 = arith.constant 0 : index
    %get3A_18 = vector.load %arg8[%get3A_16, %get3A_17] : memref<1x128xf32, #tpu.memory_space<vmem>>, vector<1x128xf32>
    %mul3A_19 = arith.mulf %div3A_3, %mul3A_15 : vector<1x128xf32>
    %sub3A_20 = arith.subf %get3A_18, %mul3A_19 : vector<1x128xf32>
    %get3A_21 = arith.constant 0 : index
    %get3A_22 = arith.constant 0 : index
    %get3A_23 = arith.constant 0 : index
    %get3A_24 = vector.load %arg2[%get3A_21, %get3A_22, %get3A_23] : memref<1x256x128xf32, #tpu.memory_space<vmem>>, vector<1x256x128xf32>
    %get3A_25 = vector.shape_cast %get3A_24 : vector<1x256x128xf32> to vector<256x128xf32>
    %mul3A_26 = vector.broadcast %mul3A_15 : vector<1x128xf32> to vector<256x128xf32>
    %mul3A_27 = arith.mulf %get3A_25, %mul3A_26 : vector<256x128xf32>
    %add3A_28 = vector.broadcast %sub3A_20 : vector<1x128xf32> to vector<256x128xf32>
    %add3A_29 = arith.addf %mul3A_27, %add3A_28 : vector<256x128xf32>
    %max3A_30 = arith.constant 0.000000e+00 : f32
    %max3A_31 = vector.broadcast %max3A_30 : f32 to vector<256x128xf32>
    %max3A_32 = arith.maximumf %add3A_29, %max3A_31 : vector<256x128xf32>
    %get3A_33 = arith.constant 0 : index
    %get3A_34 = arith.constant 0 : index
    %get3A_35 = arith.constant 0 : index
    %get3A_36 = vector.load %arg3[%get3A_33, %get3A_34, %get3A_35] : memref<1x1x256xf32, #tpu.memory_space<vmem>>, vector<1x1x256xf32>
    %get3A_37 = vector.shape_cast %get3A_36 : vector<1x1x256xf32> to vector<256xf32>
    %broadcast_in_dim3A = vector.shape_cast %get3A_37 : vector<256xf32> to vector<256x1xf32>
    %mul3A_38 = vector.broadcast %broadcast_in_dim3A : vector<256x1xf32> to vector<256x128xf32>
    %mul3A_39 = arith.mulf %max3A_32, %mul3A_38 : vector<256x128xf32>
    %get3A_40 = arith.constant 0 : index
    %get3A_41 = arith.constant 0 : index
    %get3A_42 = arith.constant 0 : index
    %get3A_43 = vector.load %arg4[%get3A_40, %get3A_41, %get3A_42] : memref<1x128x128xf32, #tpu.memory_space<vmem>>, vector<1x128x128xf32>
    %get3A_44 = vector.shape_cast %get3A_43 : vector<1x128x128xf32> to vector<128x128xf32>
    %dot_general3A = arith.constant dense<0.000000e+00> : vector<256x128xf32>
    %dot_general3A_45 = tpu.matmul %mul3A_39, %get3A_44, %dot_general3A {dimension_numbers = #tpu.dot_dimension_numbers<[1], [0], [0], [1], [0, 0, 1, 1], [], []>, transpose_lhs_hint = false} : vector<256x128xf32>, vector<128x128xf32>, vector<256x128xf32> -> vector<256x128xf32>
    %eq3A = arith.constant 0 : i32
    %eq3A_46 = arith.cmpi eq, %arg1, %eq3A : i32
    %convert_element_type3A = arith.extui %eq3A_46 : i1 to i32
    %cond3A = arith.constant 0 : i32
    %cond3A_47 = arith.cmpi ne, %convert_element_type3A, %cond3A : i32
    scf.if %cond3A_47 {
      %get3A_59 = arith.constant 0 : index
      %get3A_60 = arith.constant 0 : index
      %get3A_61 = vector.load %arg5[%get3A_59, %get3A_60] : memref<1x128xf32, #tpu.memory_space<vmem>>, vector<1x128xf32>
      %broadcast_in_dim3A_62 = arith.constant 0.000000e+00 : f32
      %broadcast_in_dim3A_63 = vector.broadcast %broadcast_in_dim3A_62 : f32 to vector<256x128xf32>
      %add3A_64 = vector.broadcast %get3A_61 : vector<1x128xf32> to vector<256x128xf32>
      %add3A_65 = arith.addf %add3A_64, %broadcast_in_dim3A_63 : vector<256x128xf32>
      %swap3A_66 = arith.constant 0 : index
      %swap3A_67 = arith.constant 0 : index
      %swap3A_68 = vector.load %arg11[%swap3A_66, %swap3A_67] : memref<256x128xf32, #tpu.memory_space<vmem>>, vector<256x128xf32>
      tpu.vector_store %arg11[%swap3A_66, %swap3A_67], %add3A_65 {strides = array<i32>} : memref<256x128xf32, #tpu.memory_space<vmem>>, vector<256x128xf32>,
    } else {
    }
    %get3A_48 = arith.constant 0 : index
    %get3A_49 = arith.constant 0 : index
    %get3A_50 = vector.load %arg11[%get3A_48, %get3A_49] : memref<256x128xf32, #tpu.memory_space<vmem>>, vector<256x128xf32>
    %add3A_51 = arith.addf %get3A_50, %dot_general3A_45 : vector<256x128xf32>
    %swap3A = arith.constant 0 : index
    %swap3A_52 = arith.constant 0 : index
    %swap3A_53 = vector.load %arg11[%swap3A, %swap3A_52] : memref<256x128xf32, #tpu.memory_space<vmem>>, vector<256x128xf32>
    tpu.vector_store %arg11[%swap3A, %swap3A_52], %add3A_51 {strides = array<i32>} : memref<256x128xf32, #tpu.memory_space<vmem>>, vector<256x128xf32>,
    %eq3A_54 = arith.constant 26 : i32
    %eq3A_55 = arith.cmpi eq, %arg1, %eq3A_54 : i32
    %convert_element_type3A_56 = arith.extui %eq3A_55 : i1 to i32
    %cond3A_57 = arith.constant 0 : i32
    %cond3A_58 = arith.cmpi ne, %convert_element_type3A_56, %cond3A_57 : i32
    scf.if %cond3A_58 {
      %get3A_59 = arith.constant 0 : index
      %get3A_60 = arith.constant 0 : index
      %get3A_61 = vector.load %arg11[%get3A_59, %get3A_60] : memref<256x128xf32, #tpu.memory_space<vmem>>, vector<256x128xf32>
      %swap3A_62 = arith.constant 0 : index
      %swap3A_63 = arith.constant 0 : index
      %swap3A_64 = vector.load %arg9[%swap3A_62, %swap3A_63] : memref<256x128xf32, #tpu.memory_space<vmem>>, vector<256x128xf32>
      tpu.vector_store %arg9[%swap3A_62, %swap3A_63], %get3A_61 {strides = array<i32>} : memref<256x128xf32, #tpu.memory_space<vmem>>, vector<256x128xf32>,
      %reduce_sum3A = arith.constant dense<0.000000e+00> : vector<128xf32>
      %reduce_sum3A_65 = vector.multi_reduction <add>, %get3A_61, %reduce_sum3A [0] : vector<256x128xf32> to vector<128xf32>
      %broadcast_in_dim3A_66 = vector.shape_cast %reduce_sum3A_65 : vector<128xf32> to vector<1x128xf32>
      %mul3A_67 = arith.mulf %get3A_61, %get3A_61 : vector<256x128xf32>
      %reduce_sum3A_68 = arith.constant dense<0.000000e+00> : vector<128xf32>
      %reduce_sum3A_69 = vector.multi_reduction <add>, %mul3A_67, %reduce_sum3A_68 [0] : vector<256x128xf32> to vector<128xf32>
      %broadcast_in_dim3A_70 = vector.shape_cast %reduce_sum3A_69 : vector<128xf32> to vector<1x128xf32>
      %broadcast_in_dim3A_71 = arith.constant 0.000000e+00 : f32
      %broadcast_in_dim3A_72 = vector.broadcast %broadcast_in_dim3A_71 : f32 to vector<6x128xf32>
      %concatenate3A = tpu.concatenate %broadcast_in_dim3A_66, %broadcast_in_dim3A_70, %broadcast_in_dim3A_72 in 0 : vector<1x128xf32>, vector<1x128xf32>, vector<6x128xf32> -> vector<8x128xf32>
      %eq3A_73 = arith.constant 0 : i32
      %eq3A_74 = arith.cmpi eq, %arg0, %eq3A_73 : i32
      %convert_element_type3A_75 = arith.extui %eq3A_74 : i1 to i32
      %cond3A_76 = arith.constant 0 : i32
      %cond3A_77 = arith.cmpi ne, %convert_element_type3A_75, %cond3A_76 : i32
      scf.if %cond3A_77 {
        %broadcast_in_dim3A_85 = arith.constant 0.000000e+00 : f32
        %broadcast_in_dim3A_86 = vector.broadcast %broadcast_in_dim3A_85 : f32 to vector<8x128xf32>
        %swap3A_87 = arith.constant 0 : index
        %swap3A_88 = arith.constant 0 : index
        %swap3A_89 = vector.load %arg10[%swap3A_87, %swap3A_88] : memref<8x128xf32, #tpu.memory_space<vmem>>, vector<8x128xf32>
        tpu.vector_store %arg10[%swap3A_87, %swap3A_88], %broadcast_in_dim3A_86 {strides = array<i32>} : memref<8x128xf32, #tpu.memory_space<vmem>>, vector<8x128xf32>,
      } else {
      }
      %get3A_78 = arith.constant 0 : index
      %get3A_79 = arith.constant 0 : index
      %get3A_80 = vector.load %arg10[%get3A_78, %get3A_79] : memref<8x128xf32, #tpu.memory_space<vmem>>, vector<8x128xf32>
      %add3A_81 = arith.addf %get3A_80, %concatenate3A : vector<8x128xf32>
      %swap3A_82 = arith.constant 0 : index
      %swap3A_83 = arith.constant 0 : index
      %swap3A_84 = vector.load %arg10[%swap3A_82, %swap3A_83] : memref<8x128xf32, #tpu.memory_space<vmem>>, vector<8x128xf32>
      tpu.vector_store %arg10[%swap3A_82, %swap3A_83], %add3A_81 {strides = array<i32>} : memref<8x128xf32, #tpu.memory_space<vmem>>, vector<8x128xf32>,
    } else {
    }
    return
  }
  func.func @transform_0(%arg0: i32, %arg1: i32) -> (i32, i32, i32) {
    %c0_i32 = arith.constant 0 : i32
    %c0_i32_0 = arith.constant 0 : i32
    return %arg1, %arg0, %c0_i32 : i32, i32, i32
  }
  func.func @transform_1(%arg0: i32, %arg1: i32) -> (i32, i32, i32) {
    %c0_i32 = arith.constant 0 : i32
    %c0_i32_0 = arith.constant 0 : i32
    return %arg1, %c0_i32, %arg0 : i32, i32, i32
  }
  func.func @transform_2(%arg0: i32, %arg1: i32) -> (i32, i32, i32) {
    %c0_i32 = arith.constant 0 : i32
    %c0_i32_0 = arith.constant 0 : i32
    %c0_i32_1 = arith.constant 0 : i32
    return %arg1, %c0_i32, %c0_i32_0 : i32, i32, i32
  }
  func.func @transform_3(%arg0: i32, %arg1: i32) -> (i32, i32) {
    %c0_i32 = arith.constant 0 : i32
    %c0_i32_0 = arith.constant 0 : i32
    %c0_i32_1 = arith.constant 0 : i32
    return %c0_i32, %c0_i32_0 : i32, i32
  }
  func.func @transform_4(%arg0: i32, %arg1: i32) -> (i32, i32) {
    %c0_i32 = arith.constant 0 : i32
    %c0_i32_0 = arith.constant 0 : i32
    %c0_i32_1 = arith.constant 0 : i32
    return %c0_i32, %c0_i32_0 : i32, i32
  }
  func.func @transform_5(%arg0: i32, %arg1: i32) -> (i32, i32) {
    %c0_i32 = arith.constant 0 : i32
    %c0_i32_0 = arith.constant 0 : i32
    %c0_i32_1 = arith.constant 0 : i32
    return %c0_i32, %c0_i32_0 : i32, i32
  }
  func.func @transform_6(%arg0: i32, %arg1: i32) -> (i32, i32) {
    %c0_i32 = arith.constant 0 : i32
    %c0_i32_0 = arith.constant 0 : i32
    %c0_i32_1 = arith.constant 0 : i32
    return %c0_i32, %c0_i32_0 : i32, i32
  }
  func.func @transform_7(%arg0: i32, %arg1: i32) -> (i32, i32) {
    %c0_i32 = arith.constant 0 : i32
    %c0_i32_0 = arith.constant 0 : i32
    return %arg0, %c0_i32 : i32, i32
  }
  func.func @transform_8(%arg0: i32, %arg1: i32) -> (i32, i32) {
    %c0_i32 = arith.constant 0 : i32
    %c0_i32_0 = arith.constant 0 : i32
    %c0_i32_1 = arith.constant 0 : i32
    return %c0_i32, %c0_i32_0 : i32, i32
  }
}

module attributes {stable_mosaic.version = 14 : i64} {
  func.func @_final_kernel(%arg0: i32, %arg1: memref<256x128xf32, #tpu.memory_space<vmem>>, %arg2: memref<8x128xf32, #tpu.memory_space<vmem>>, %arg3: memref<1x128xf32, #tpu.memory_space<vmem>>, %arg4: memref<1x128xf32, #tpu.memory_space<vmem>>, %arg5: memref<128x256xf32, #tpu.memory_space<vmem>>, %arg6: memref<1x256xf32, #tpu.memory_space<vmem>>, %arg7: memref<256x256xf32, #tpu.memory_space<vmem>>) attributes {dimension_semantics = [#tpu.dimension_semantics<arbitrary>], iteration_bounds = array<i64: 32>, scalar_prefetch = 0 : i64, scratch_operands = 0 : i64, tpu.core_type = #tpu.core_type<tc>, window_params = [{transform_indices = @transform_0, window_bounds = array<i64: 256, 128>}, {pipeline_mode = #tpu.pipeline_mode<synchronous>, transform_indices = @transform_1, window_bounds = array<i64: 8, 128>}, {pipeline_mode = #tpu.pipeline_mode<synchronous>, transform_indices = @transform_2, window_bounds = array<i64: 1, 128>}, {pipeline_mode = #tpu.pipeline_mode<synchronous>, transform_indices = @transform_3, window_bounds = array<i64: 1, 128>}, {pipeline_mode = #tpu.pipeline_mode<synchronous>, transform_indices = @transform_4, window_bounds = array<i64: 128, 256>}, {pipeline_mode = #tpu.pipeline_mode<synchronous>, transform_indices = @transform_5, window_bounds = array<i64: 1, 256>}, {transform_indices = @transform_6, window_bounds = array<i64: 256, 256>}]} {
    %get3A = arith.constant 0 : index
    %get3A_0 = arith.constant 0 : index
    %get3A_1 = vector.load %arg2[%get3A, %get3A_0] : memref<8x128xf32, #tpu.memory_space<vmem>>, vector<8x128xf32>
    %slice3A = vector.extract_strided_slice %get3A_1 {offsets = [0, 0], sizes = [1, 128], strides = [1, 1]} : vector<8x128xf32> to vector<1x128xf32>
    %div3A = arith.constant 8.192000e+03 : f32
    %div3A_2 = vector.broadcast %div3A : f32 to vector<1x128xf32>
    %div3A_3 = arith.divf %slice3A, %div3A_2 : vector<1x128xf32>
    %slice3A_4 = vector.extract_strided_slice %get3A_1 {offsets = [1, 0], sizes = [1, 128], strides = [1, 1]} : vector<8x128xf32> to vector<1x128xf32>
    %div3A_5 = arith.constant 8.192000e+03 : f32
    %div3A_6 = vector.broadcast %div3A_5 : f32 to vector<1x128xf32>
    %div3A_7 = arith.divf %slice3A_4, %div3A_6 : vector<1x128xf32>
    %mul3A = arith.mulf %div3A_3, %div3A_3 : vector<1x128xf32>
    %sub3A = arith.subf %div3A_7, %mul3A : vector<1x128xf32>
    %max3A = arith.constant 0.000000e+00 : f32
    %max3A_8 = vector.broadcast %max3A : f32 to vector<1x128xf32>
    %max3A_9 = arith.maximumf %sub3A, %max3A_8 : vector<1x128xf32>
    %get3A_10 = arith.constant 0 : index
    %get3A_11 = arith.constant 0 : index
    %get3A_12 = vector.load %arg3[%get3A_10, %get3A_11] : memref<1x128xf32, #tpu.memory_space<vmem>>, vector<1x128xf32>
    %add3A = arith.constant 9.99999974E-6 : f32
    %add3A_13 = vector.broadcast %add3A : f32 to vector<1x128xf32>
    %add3A_14 = arith.addf %max3A_9, %add3A_13 : vector<1x128xf32>
    %rsqrt3A = math.rsqrt %add3A_14 : vector<1x128xf32>
    %mul3A_15 = arith.mulf %get3A_12, %rsqrt3A : vector<1x128xf32>
    %get3A_16 = arith.constant 0 : index
    %get3A_17 = arith.constant 0 : index
    %get3A_18 = vector.load %arg4[%get3A_16, %get3A_17] : memref<1x128xf32, #tpu.memory_space<vmem>>, vector<1x128xf32>
    %mul3A_19 = arith.mulf %div3A_3, %mul3A_15 : vector<1x128xf32>
    %sub3A_20 = arith.subf %get3A_18, %mul3A_19 : vector<1x128xf32>
    %get3A_21 = arith.constant 0 : index
    %get3A_22 = arith.constant 0 : index
    %get3A_23 = vector.load %arg1[%get3A_21, %get3A_22] : memref<256x128xf32, #tpu.memory_space<vmem>>, vector<256x128xf32>
    %mul3A_24 = vector.broadcast %mul3A_15 : vector<1x128xf32> to vector<256x128xf32>
    %mul3A_25 = arith.mulf %get3A_23, %mul3A_24 : vector<256x128xf32>
    %add3A_26 = vector.broadcast %sub3A_20 : vector<1x128xf32> to vector<256x128xf32>
    %add3A_27 = arith.addf %mul3A_25, %add3A_26 : vector<256x128xf32>
    %max3A_28 = arith.constant 0.000000e+00 : f32
    %max3A_29 = vector.broadcast %max3A_28 : f32 to vector<256x128xf32>
    %max3A_30 = arith.maximumf %add3A_27, %max3A_29 : vector<256x128xf32>
    %get3A_31 = arith.constant 0 : index
    %get3A_32 = arith.constant 0 : index
    %get3A_33 = vector.load %arg5[%get3A_31, %get3A_32] : memref<128x256xf32, #tpu.memory_space<vmem>>, vector<128x256xf32>
    %dot_general3A = arith.constant dense<0.000000e+00> : vector<256x256xf32>
    %dot_general3A_34 = tpu.matmul %max3A_30, %get3A_33, %dot_general3A {dimension_numbers = #tpu.dot_dimension_numbers<[1], [0], [0], [1], [0, 0, 1, 1], [], []>, transpose_lhs_hint = false} : vector<256x128xf32>, vector<128x256xf32>, vector<256x256xf32> -> vector<256x256xf32>
    %get3A_35 = arith.constant 0 : index
    %get3A_36 = arith.constant 0 : index
    %get3A_37 = vector.load %arg6[%get3A_35, %get3A_36] : memref<1x256xf32, #tpu.memory_space<vmem>>, vector<1x256xf32>
    %add3A_38 = vector.broadcast %get3A_37 : vector<1x256xf32> to vector<256x256xf32>
    %add3A_39 = arith.addf %dot_general3A_34, %add3A_38 : vector<256x256xf32>
    %swap3A = arith.constant 0 : index
    %swap3A_40 = arith.constant 0 : index
    %swap3A_41 = vector.load %arg7[%swap3A, %swap3A_40] : memref<256x256xf32, #tpu.memory_space<vmem>>, vector<256x256xf32>
    tpu.vector_store %arg7[%swap3A, %swap3A_40], %add3A_39 {strides = array<i32>} : memref<256x256xf32, #tpu.memory_space<vmem>>, vector<256x256xf32>,
    return
  }
  func.func @transform_0(%arg0: i32) -> (i32, i32) {
    %c0_i32 = arith.constant 0 : i32
    %c0_i32_0 = arith.constant 0 : i32
    return %arg0, %c0_i32 : i32, i32
  }
  func.func @transform_1(%arg0: i32) -> (i32, i32) {
    %c0_i32 = arith.constant 0 : i32
    %c0_i32_0 = arith.constant 0 : i32
    %c0_i32_1 = arith.constant 0 : i32
    return %c0_i32, %c0_i32_0 : i32, i32
  }
  func.func @transform_2(%arg0: i32) -> (i32, i32) {
    %c0_i32 = arith.constant 0 : i32
    %c0_i32_0 = arith.constant 0 : i32
    %c0_i32_1 = arith.constant 0 : i32
    return %c0_i32, %c0_i32_0 : i32, i32
  }
  func.func @transform_3(%arg0: i32) -> (i32, i32) {
    %c0_i32 = arith.constant 0 : i32
    %c0_i32_0 = arith.constant 0 : i32
    %c0_i32_1 = arith.constant 0 : i32
    return %c0_i32, %c0_i32_0 : i32, i32
  }
  func.func @transform_4(%arg0: i32) -> (i32, i32) {
    %c0_i32 = arith.constant 0 : i32
    %c0_i32_0 = arith.constant 0 : i32
    %c0_i32_1 = arith.constant 0 : i32
    return %c0_i32, %c0_i32_0 : i32, i32
  }
  func.func @transform_5(%arg0: i32) -> (i32, i32) {
    %c0_i32 = arith.constant 0 : i32
    %c0_i32_0 = arith.constant 0 : i32
    %c0_i32_1 = arith.constant 0 : i32
    return %c0_i32, %c0_i32_0 : i32, i32
  }
  func.func @transform_6(%arg0: i32) -> (i32, i32) {
    %c0_i32 = arith.constant 0 : i32
    %c0_i32_0 = arith.constant 0 : i32
    return %arg0, %c0_i32 : i32, i32
  }
}

</mosaic_0001>

<sc_bundles>
// kernel: kernel.12.cloned.1.call-start
scs
__scs_entry_jumppad:
0x0: {  	(pc) =	sbr.rel $0x88, $3  }
0x1: {  	(tag) =	ssettag $0x0;
	lr =	simm.s32 $0x1  }
0x2: {  	[smem:$0x3F95] =	sst lr;
	_ =	strace $0xD0000000  }
0x3: {  	_ = 	snop  }
0x4: {  	_ = 	snop  }
0x5: {  	_ = 	snop  }
0x6: {  	_ = 	snop  }
0x7: {  	_ = 	snop  }
__scs_overlays_trampoline_lowered:
0x8: {  	[smem:$0x3FA4] =	sst s0  }
0x9: {  	[smem:$0x3FA5] =	sst s1  }
0xa: {  	[smem:$0x3FA6] =	sst s2  }
0xb: {  	[smem:$0x3FA7] =	sst s3  }
0xc: {  	[smem:$0x3FA8] =	sst s4  }
0xd: {  	[smem:$0x3FA9] =	sst s5  }
0xe: {  	[smem:$0x3FAA] =	sst s6  }
0xf: {  	[smem:$0x3FAB] =	sst s7  }
0x10: {  	[smem:$0x3FAC] =	sst s8  }
0x11: {  	[smem:$0x3FAD] =	sst s9;
	s0 =	simm.s32 @!p0 $0x0  }
0x12: {  	s1 =	sld [smem:$0x3F93];
	s0 =	simm.s32 @p0 $0x1  }
0x13: {  	[smem:$0x3FAE] =	sst s0;
	s0 =	simm.s32 @!p1 $0x0  }
0x14: {  	s2 =	sld [smem:$0x3F92];
	s0 =	simm.s32 @p1 $0x1  }
0x15: {  	[smem:$0x3FAF] =	sst s0;
	s0 =	simm.s32 @!p2 $0x0  }
0x16: {  	s3 =	sld [smem:$0x3FDB];
	s0 =	simm.s32 @p2 $0x1  }
0x17: {  	s4 =	simm.s32 $0x1BF5;
	[smem:$0x3FB1] =	sst s0  }
0x18: {  	s0 =	sld [smem:$0x3F94];
	_ =	swait.ge [sflag:s4], $0x0  }
0x19: {  	s7 =	sld [smem:$0x3F95]  }
0x1a: {  	s8 =	sadd.s32 $0xFFFFE003, lr  }
0x1b: {  	s9 =	sadd.s32 $0xFFFFFEF7, lr;
	s5 =	simm.s32 $0xFFFFFFFF;
	p2 =	slt.u32 s8, $0xFFFFF086  }
0x1c: {  	p1 =	slt.u32 s9, $0xF7A;
	s5 =	simm.s32 @!p2 $0x0  }
0x1d: {  	s5 =	simm.s32 @p1 $0x1;
	p0 =	seq.s32 s7, s2  }
0x1e: {  	s7 =	smul.u32 @!p0 $0xF7A, s2;
	p2 =	seq.s32 @!p0 s5, $0x0  }
0x1f: {  	s9 =	smul.u32 $0xF7A, s1;
	s8 =	simm.s32 @!p0 $0x1BF5;
	p2 =	por !p2, p0  }
0x20: {  	[sflag:s8] =	ssyncset.s32 @!p0 $0xFFFFF086;
	s6 =	sadd.s32 @!p0 s3, s7;
	s7 =	simm.s32 @!p0 $0x108  }
0x21: {  	s3 =	sadd.s32 s3, s9;
	s6 =	sadd.s32 @!p0 $0x88, s6;
	s7 =	simm.s32 @p2 $0x1082  }
0x22: {  	[simem:s7], [sflag:s8] =	dma.local @!p0 [hbm:s6], $0xF7A  }
0x23: {  	s9 =	sor.u32 $0xD0000000, s2;
	s6 =	simm.s32 $0x108;
	_ =	swait.ge @!p0 [sflag:s8], $0x0  }
0x24: {  	s3 =	sadd.s32 $0x88, s3;
	s6 =	simm.s32 @!p1 $0x1082;
	[sflag:s4] =	ssyncset.s32 $0xFFFFF086  }
0x25: {  	[simem:s6], [sflag:s4] =	dma.local [hbm:s3], $0xF7A  }
0x26: {  	[smem:$0x3F95] =	sst s1;
	(tag) =	ssettag s2;
	_ =	strace s9  }
0x27: {  	s1 =	sld [smem:$0x3FA5]  }
0x28: {  	s2 =	sld [smem:$0x3FA6]  }
0x29: {  	s4 =	sld [smem:$0x3FA8]  }
0x2a: {  	p0 =	seq.s32 s5, $0x0;
	s5 =	sld [smem:$0x3FA9]  }
0x2b: {  	s6 =	sld [smem:$0x3FAA]  }
0x2c: {  	s7 =	sld [smem:$0x3FAB]  }
0x2d: {  	s3 =	simm.s32 $0x108;
	s8 =	sld [smem:$0x3FAC]  }
0x2e: {  	s3 =	simm.s32 @!p0 $0x1082;
	s9 =	sld [smem:$0x3FAD]  }
0x2f: {  	lr =	sadd.s32 s0, s3;
	s0 =	sld [smem:$0x3FA4]  }
0x30: {  	s3 =	sld [smem:$0x3FA7]  }
0x31: {  	[smem:$0x3FB0] =	sst s10  }
0x32: {  	s10 =	sld [smem:$0x3FAE];
	_ =	sdelay $0x3  }
0x33: {  	p0 =	seq.s32 s10, $0x1;
	s10 =	sld [smem:$0x3FB0];
	_ =	sdelay $0x3  }
0x34: {  	[smem:$0x3FB0] =	sst s10  }
0x35: {  	s10 =	sld [smem:$0x3FAF];
	_ =	sdelay $0x3  }
0x36: {  	p1 =	seq.s32 s10, $0x1;
	s10 =	sld [smem:$0x3FB0];
	_ =	sdelay $0x3  }
0x37: {  	[smem:$0x3FB0] =	sst s10  }
0x38: {  	s10 =	sld [smem:$0x3FB1]  }
0x39: {  	_ = 	snop;
	(pc) =	sbr.ind lr, $3  }
0x3a: {  	_ = 	snop  }
0x3b: {  	_ = 	snop  }
0x3c: {  	p2 =	seq.s32 s10, $0x1;
	s10 =	sld [smem:$0x3FB0]  }
0x3d: {  	_ =	shalt  }
0x3e: {  	_ =	shalt  }
0x3f: {  	_ =	shalt  }
0x40: {  	_ =	shalt  }
0x41: {  	_ =	shalt  }
0x42: {  	_ =	shalt  }
0x43: {  	_ =	shalt  }
0x44: {  	_ =	shalt  }
0x45: {  	_ =	shalt  }
0x46: {  	_ =	shalt  }
0x47: {  	_ =	shalt  }
0x48: {  	_ =	shalt  }
0x49: {  	_ =	shalt  }
0x4a: {  	_ =	shalt  }
0x4b: {  	_ =	shalt  }
0x4c: {  	_ =	shalt  }
0x4d: {  	_ =	shalt  }
0x4e: {  	_ =	shalt  }
0x4f: {  	_ =	shalt  }
0x50: {  	_ =	shalt  }
0x51: {  	_ =	shalt  }
0x52: {  	_ =	shalt  }
0x53: {  	_ =	shalt  }
0x54: {  	_ =	shalt  }
0x55: {  	_ =	shalt  }
0x56: {  	_ =	shalt  }
0x57: {  	_ =	shalt  }
0x58: {  	_ =	shalt  }
0x59: {  	_ =	shalt  }
0x5a: {  	_ =	shalt  }
0x5b: {  	_ =	shalt  }
0x5c: {  	_ =	shalt  }
0x5d: {  	_ =	shalt  }
0x5e: {  	_ =	shalt  }
0x5f: {  	_ =	shalt  }
0x60: {  	_ =	shalt  }
0x61: {  	_ =	shalt  }
0x62: {  	_ =	shalt  }
0x63: {  	_ =	shalt  }
0x64: {  	_ =	shalt  }
0x65: {  	_ =	shalt  }
0x66: {  	_ =	shalt  }
0x67: {  	_ =	shalt  }
0x68: {  	_ =	shalt  }
0x69: {  	_ =	shalt  }
0x6a: {  	_ =	shalt  }
0x6b: {  	_ =	shalt  }
0x6c: {  	_ =	shalt  }
0x6d: {  	_ =	shalt  }
0x6e: {  	_ =	shalt  }
0x6f: {  	_ =	shalt  }
0x70: {  	_ =	shalt  }
0x71: {  	_ =	shalt  }
0x72: {  	_ =	shalt  }
0x73: {  	_ =	shalt  }
0x74: {  	_ =	shalt  }
0x75: {  	_ =	shalt  }
0x76: {  	_ =	shalt  }
0x77: {  	_ =	shalt  }
0x78: {  	_ =	shalt  }
0x79: {  	_ =	shalt  }
0x7a: {  	_ =	shalt  }
0x7b: {  	_ =	shalt  }
0x7c: {  	_ =	shalt  }
0x7d: {  	_ =	shalt  }
0x7e: {  	_ =	shalt  }
0x7f: {  	_ =	shalt  }
0x80: {  	_ =	shalt  }
0x81: {  	_ =	shalt  }
0x82: {  	_ =	shalt  }
0x83: {  	_ =	shalt  }
0x84: {  	_ =	shalt  }
0x85: {  	_ =	shalt  }
0x86: {  	_ =	shalt  }
0x87: {  	_ =	shalt  }
.Lfunc_end0:
.L_simem_size_0:
called_computation_lowered:
.L_overlay_start_0:
0x88: {  	s2 =	sld [smem:$0x3FD9]  }
0x89: {  	s3 =	sld [smem:$0x3FFE];
	_ =	sdelay $0x1  }
0x8a: {  	s1 =	srdreg.scid  }
0x8b: {  	s0 =	sand.u32 $0x1, s1  }
0x8c: {  	s17 =	sshll.u32 s0, $0xA;
	s2 =	sadd.s32 s3, s2  }
0x8d: {  	s2 =	sadd.s32 s2, s17  }
0x8e: {  	[smem:$0x3FBC] =	sst s2  }
0x8f: {  	_ = 	snop  }
0x90: {  	s2 =	sld [smem:$0x3FD0];
	(tm) =	ssettm $0x1  }
0x91: {  	s18 =	sld [smem:$0x3FFB];
	_ =	sdelay $0x3  }
0x92: {  	_ =	strace s18  }
0x93: {  	s3 =	sld [smem:$0x3FFC];
	_ =	sdelay $0x3  }
0x94: {  	_ =	strace s3  }
0x95: {  	s3 =	sld [smem:$0x3FFD];
	_ =	sdelay $0x3  }
0x96: {  	_ =	strace s3  }
0x97: {  	_ =	strace $0x8FFFFFFF  }
0x98: {  	s19 =	sld [smem:$0x3FDB];
	_ =	sdelay $0x1  }
0x99: {  	s4 =	simm.s32 $_scs_section_size  }
0x9a: {  	s5 =	simm.s32 $_size__tile_overlayer_lowered;
	s6 =	simm.s32 $_tile_overlayer_lowered  }
0x9b: {  	s22 =	simm.s32 $0x1BFF;
	s21 =	sshll.u32 s6, $0x1;
	s3 =	sadd.s32 s4, s19  }
0x9c: {  	s7 =	simm.s32 $0x0;
	s20 =	sshll.u32 s5, $0x1;
	s5 =	sadd.s32 s21, s3  }
0x9d: {  	[timem:s7], [sflag:s22] =	dma.local [hbm:s5], s20  }
0x9e: {  	_ =	swait.ge [sflag:s22], s20  }
0x9f: {  	s4 =	ssub.s32 $0x0, s20;
	[sflag:s22] =	ssyncset.done $0x0  }
0xa0: {  	[sflag:s22] =	ssyncadd.s32 s4;
	_ =	sdelay $0x1  }
0xa1: {  	s23 =	simm.s32 $0x1B8B  }
0xa2: {  	_ =	swait.ge [sflag:s23], $0x1  }
0xa3: {  	[sflag:s23] =	ssyncset.done $0x0  }
0xa4: {  	s25 =	simm.s32 $0x1B8E;
	s24 =	sld [smem:$0x3FFE];
	[sflag:s23] =	ssyncadd.s32 $0xFFFFFFFF  }
0xa5: {  	s26 =	simm.s32 $execute0_lowered;
	[smem:$0x3FD2] =	sst s25  }
0xa6: {  	s5 =	sshll.u32 s26, $0x1;
	_ =	strace $0x80000046;
	[dreg:$0x1] =	wrdreg $0xFFFFFFFF  }
0xa7: {  	s28 =	simm.s32 $_size_execute0_lowered;
	s3 =	sadd.s32 s3, s5;
	[dreg:$0x0] =	wrdreg $0x0  }
0xa8: {  	s5 =	sshll.u32 s28, $0x1;
	[dreg:$0x2] =	wrdreg s3  }
0xa9: {  	[dreg:$0x3] =	wrdreg s5  }
0xaa: {  	[dreg:$0x4] =	wrdreg $0xC0  }
0xab: {  	_ =	task [dreg:s7], $0x5FFFF  }
0xac: {  	[dreg:$0x1] =	wrdreg $0xFFFFFFFF  }
0xad: {  	[dreg:$0x0] =	wrdreg $0x60  }
0xae: {  	[dreg:$0x2] =	wrdreg s24  }
0xaf: {  	[dreg:$0x3] =	wrdreg s2  }
0xb0: {  	[dreg:$0x4] =	wrdreg $0xA  }
0xb1: {  	_ =	task.clear_ibuf [dreg:s7], $0x5FFFF;
	_ =	strace $0x90000046  }
0xb2: {  	s29 =	simm.s32 $0xA;
	_ =	strace $0x80000048  }
0xb3: {  	_ =	swait.ge [sflag:s29], $0x1  }
0xb4: {  	[sflag:s29] =	ssyncadd.s32 $0xFFFFFFFF  }
0xb5: {  	_ =	strace $0x90000048  }
0xb6: {  	_ =	sfence  }
0xb7: {  	s30 =	sld [smem:$0x0];
	_ =	sdelay $0x2  }
0xb8: {  	s31 =	sshll.u32 s1, $0xD;
	s1 =	sshrl.u32 s1, $0x2  }
0xb9: {  	s3 =	sand.u32 $0x4000, s31;
	s1 =	sadd.s32 s1, s30  }
0xba: {  	s0 =	sor.u32 s3, s0;
	s1 =	sshll.u32 s1, $0x11  }
0xbb: {  	s0 =	sor.u32 s1, s0  }
0xbc: {  	s0 =	sadd.s32 $0x8F2B, s0  }
0xbd: {  	[sflag:s0] =	ssyncadd.remote.s32 $0x1  }
0xbe: {  	_ =	sfence.sel $0xFFFF  }
0xbf: {  	[dreg:$0x0] =	wrdreg $0xFFFFFFFF;
	(pc) =	sbr.abs _section_cstart, $3  }
0xc0: {  	[dreg:$0x1] =	wrdreg $0xFFFFFFFF  }
0xc1: {  	_ =	task.clear_ibuf [dreg:s7], $0x2FFFF;
	_ =	strace $0x9FFFFFFF  }
0xc2: {  	(tm) =	ssettm $0x7FFFFFFF  }
0xc3: {  	_ =	shalt  }
tec
execute0_lowered:
.L_overlay_start_1:
0x0: {  	(tag) =	ssettag $0x1  }
0x1: {  	s1 =	srdreg.scid  }
0x2: {  	s5 =	rddreg [dreg:$0x0];
	s0 =	stileid.u32;
	s10 =	sand.u32 $0x1, s1  }
0x3: {  	s11 =	rddreg [dreg:$0x1];
	s3 =	sshll.u32 s0, $0xA;
	s4 =	sshll.u32 s10, $0x9  }
0x4: {  	s2 =	simm.s32 $0x0;
	s1 =	rddreg [dreg:$0x2];
	s9 =	sor.u32 s4, s3  }
0x5: {  	[smem:$0x7FF] =	sst s2;
	s12 =	sadd.s32 $0x23A00, s5;
	s3 =	sshrl.u32 s9, $0x3  }
0x6: {  	_ =	strace $0x80000047;
	s4 =	sadd.s32 s12, s3;
	s3 =	simm.s32 $0x2  }
0x7: {  	[tilespmem:s2], [sflag:$0x2] =	stream.linear.gather [hbm4b:s4+s2], $0x100, $0x38;
	[tilespmem:$0x8100] =	vst v63  }
0x8: {  	_ =	swait.ge [sflag:s3], $0x100  }
0x9: {  	s6 =	simm.s32 $0x100;
	[sflag:s3] =	ssyncset.done $0x0  }
0xa: {  	s7 =	simm.s32 $0x1;
	s5 =	sadd.s32 $0x3600, s5;
	[sflag:s3] =	ssyncadd.s32 $0xFFFFFF00  }
0xb: {  	[tilespmem:s6], [sflag:$0x1] =	stream.indirect.gather [hbm4b:s5+s6], $0x80, s2, s6, $0xb8;
	[tilespmem:$0x8100] =	vst v63  }
0xc: {  	_ =	swait.ge [sflag:s7], $0x8000  }
0xd: {  	s8 =	sshll.u32 s9, $0x4;
	[sflag:s7] =	ssyncset.done $0x0  }
0xe: {  	s8 =	sadd.s32 s11, s8;
	[sflag:s7] =	ssyncadd.s32 $0xFFFF8000  }
0xf: {  	[hbm4b:s8+s2] =	stream.linear.scatter [tilespmem:s6], [sflag:$0x2], $0x8000, $0x38;
	[tilespmem:$0x8100] =	vst v63  }
0x10: {  	s13 =	sor.u32 $0x100, s9;
	_ =	swait.ge [sflag:s3], $0x8000  }
0x11: {  	s9 =	sshrl.u32 s13, $0x3;
	[sflag:s3] =	ssyncset.done $0x0  }
0x12: {  	s10 =	ssub.s32 $0x2, s10;
	s9 =	sadd.s32 s12, s9;
	[sflag:s3] =	ssyncadd.s32 $0xFFFF8000  }
0x13: {  	[tilespmem:s2], [sflag:$0x2] =	stream.linear.gather [hbm4b:s9+s2], $0x100, $0x38;
	[tilespmem:$0x8100] =	vst v63  }
0x14: {  	s29 =	sshrl.u32 s10, $0x1;
	_ =	swait.ge [sflag:s3], $0x100  }
0x15: {  	s12 =	ssub.s32 s10, s29;
	[sflag:s3] =	ssyncset.done $0x0  }
0x16: {  	s31 =	smax.u32 s12, $0x1;
	[sflag:s3] =	ssyncadd.s32 $0xFFFFFF00  }
0x17: {  	[tilespmem:s6], [sflag:$0x1] =	stream.indirect.gather [hbm4b:s5+s6], $0x80, s2, s6, $0xb8;
	[tilespmem:$0x8100] =	vst v63  }
0x18: {  	p0 =	sne.s32 s31, $0x1;
	_ =	swait.ge [sflag:s7], $0x8000  }
.Ltmp0:
0x19: {  	s30 =	sshll.u32 s13, $0x4;
	[sflag:s7] =	ssyncset.done $0x0;
	(pc) =	sbr.rel @!p0 .LBB2_2-.Ltmp0, $4  }
0x1a: {  	s10 =	sadd.s32 s11, s30;
	[sflag:s7] =	ssyncadd.s32 $0xFFFF8000  }
0x1b: {  	[hbm4b:s10+s2] =	stream.linear.scatter [tilespmem:s6], [sflag:$0x2], $0x8000, $0x38;
	[tilespmem:$0x8100] =	vst v63  }
0x1c: {  	_ =	swait.ge [sflag:s3], $0x8000  }
0x1d: {  	s11 =	sadd.s32 $0xFFFFFFFF, s31;
	[sflag:s3] =	ssyncset.done $0x0  }
.LBB2_1:
0x1e: {  	p0 =	sne.s32 s11, $0x1;
	s11 =	sadd.s32 $0xFFFFFFFF, s11;
	[sflag:s3] =	ssyncadd.s32 $0xFFFF8000  }
0x1f: {  	[tilespmem:s2], [sflag:$0x2] =	stream.linear.gather [hbm4b:s4+s2], $0x100, $0x38;
	[tilespmem:$0x8100] =	vst v63  }
0x20: {  	_ =	swait.ge [sflag:s3], $0x100  }
0x21: {  	[sflag:s3] =	ssyncset.done $0x0  }
0x22: {  	[sflag:s3] =	ssyncadd.s32 $0xFFFFFF00  }
0x23: {  	[tilespmem:s6], [sflag:$0x1] =	stream.indirect.gather [hbm4b:s5+s6], $0x80, s2, s6, $0xb8;
	[tilespmem:$0x8100] =	vst v63  }
0x24: {  	_ =	swait.ge [sflag:s7], $0x8000  }
0x25: {  	[sflag:s7] =	ssyncset.done $0x0  }
0x26: {  	[sflag:s7] =	ssyncadd.s32 $0xFFFF8000  }
0x27: {  	[hbm4b:s8+s2] =	stream.linear.scatter [tilespmem:s6], [sflag:$0x2], $0x8000, $0x38;
	[tilespmem:$0x8100] =	vst v63  }
0x28: {  	_ =	swait.ge [sflag:s3], $0x8000  }
0x29: {  	[sflag:s3] =	ssyncset.done $0x0  }
0x2a: {  	[sflag:s3] =	ssyncadd.s32 $0xFFFF8000  }
0x2b: {  	[tilespmem:s2], [sflag:$0x2] =	stream.linear.gather [hbm4b:s9+s2], $0x100, $0x38;
	[tilespmem:$0x8100] =	vst v63  }
0x2c: {  	_ =	swait.ge [sflag:s3], $0x100  }
0x2d: {  	[sflag:s3] =	ssyncset.done $0x0  }
0x2e: {  	[sflag:s3] =	ssyncadd.s32 $0xFFFFFF00  }
0x2f: {  	[tilespmem:s6], [sflag:$0x1] =	stream.indirect.gather [hbm4b:s5+s6], $0x80, s2, s6, $0xb8;
	[tilespmem:$0x8100] =	vst v63  }
0x30: {  	_ =	swait.ge [sflag:s7], $0x8000  }
.Ltmp1:
0x31: {  	[sflag:s7] =	ssyncset.done $0x0;
	(pc) =	sbr.rel @p0 .LBB2_1-.Ltmp1, $4  }
0x32: {  	[sflag:s7] =	ssyncadd.s32 $0xFFFF8000  }
0x33: {  	[hbm4b:s10+s2] =	stream.linear.scatter [tilespmem:s6], [sflag:$0x2], $0x8000, $0x38;
	[tilespmem:$0x8100] =	vst v63  }
0x34: {  	_ =	swait.ge [sflag:s3], $0x8000  }
0x35: {  	[sflag:s3] =	ssyncset.done $0x0  }
.LBB2_2:
0x36: {  	[sflag:s3] =	ssyncadd.s32 $0xFFFF8000  }
0x37: {  	_ =	sfence.sel $0x180000  }
0x38: {  	[bflag:$0x0] =	sbarrier.arrive $0xFFFF  }
0x39: {  	p0 =	sne.s32 s0, $0x0;
	_ =	strace $0x90000047  }
0x3a: {  	s0 =	sadd.s32 @!p0 $0x100000, s1;
	[bflag:$0x2] =	sbarrier.arrive $0xFFFF  }
0x3b: {  	[sflag:s0] =	ssyncadd.tile.s32 @!p0 $0x1;
	_ =	shalt  }
.Lfunc_end2:
_tile_overlayer_lowered:
.L_overlay_start_2:
0x3c: {  	(tag) =	ssettag $0x2  }
0x3d: {  	s0 =	rddreg [dreg:$0x0];
	s2 =	stileid.u32  }
0x3e: {  	s1 =	rddreg [dreg:$0x1];
	p0 =	sne.s32 s2, $0x0  }
0x3f: {  	s3 =	rddreg [dreg:$0x2];
	[bflag:$0x3] =	sbarrier.arrive $0xFFFF;
	s2 =	simm.s32 @!p0 $0x1C02  }
0x40: {  	[timem:s3], [sflag:s2] =	dma.local @!p0 [hbm:s0], s1  }
0x41: {  	s0 =	simm.s32 @!p0 $0x2  }
0x42: {  	_ =	swait.ge @!p0 [sflag:s0], s1  }
0x43: {  	s1 =	ssub.s32 @!p0 $0x0, s1;
	[sflag:s0] =	ssyncset.done @!p0 $0x0  }
0x44: {  	[sflag:s0] =	ssyncadd.s32 @!p0 s1  }
0x45: {  	[bflag:$0x3] =	sbarrier.arrive $0xFFFF  }
0x46: {  	_ =	shalt  }

// kernel: kernel.15.cloned.1.call-start
scs
__scs_entry_jumppad:
0x0: {  	(pc) =	sbr.rel $0x88, $3  }
0x1: {  	(tag) =	ssettag $0x0;
	lr =	simm.s32 $0x1  }
0x2: {  	[smem:$0x3F95] =	sst lr;
	_ =	strace $0xD0000000  }
0x3: {  	_ = 	snop  }
0x4: {  	_ = 	snop  }
0x5: {  	_ = 	snop  }
0x6: {  	_ = 	snop  }
0x7: {  	_ = 	snop  }
__scs_overlays_trampoline_lowered:
0x8: {  	[smem:$0x3FA4] =	sst s0  }
0x9: {  	[smem:$0x3FA5] =	sst s1  }
0xa: {  	[smem:$0x3FA6] =	sst s2  }
0xb: {  	[smem:$0x3FA7] =	sst s3  }
0xc: {  	[smem:$0x3FA8] =	sst s4  }
0xd: {  	[smem:$0x3FA9] =	sst s5  }
0xe: {  	[smem:$0x3FAA] =	sst s6  }
0xf: {  	[smem:$0x3FAB] =	sst s7  }
0x10: {  	[smem:$0x3FAC] =	sst s8  }
0x11: {  	[smem:$0x3FAD] =	sst s9;
	s0 =	simm.s32 @!p0 $0x0  }
0x12: {  	s1 =	sld [smem:$0x3F93];
	s0 =	simm.s32 @p0 $0x1  }
0x13: {  	[smem:$0x3FAE] =	sst s0;
	s0 =	simm.s32 @!p1 $0x0  }
0x14: {  	s2 =	sld [smem:$0x3F92];
	s0 =	simm.s32 @p1 $0x1  }
0x15: {  	[smem:$0x3FAF] =	sst s0;
	s0 =	simm.s32 @!p2 $0x0  }
0x16: {  	s3 =	sld [smem:$0x3FDB];
	s0 =	simm.s32 @p2 $0x1  }
0x17: {  	s4 =	simm.s32 $0x1BF5;
	[smem:$0x3FB1] =	sst s0  }
0x18: {  	s0 =	sld [smem:$0x3F94];
	_ =	swait.ge [sflag:s4], $0x0  }
0x19: {  	s7 =	sld [smem:$0x3F95]  }
0x1a: {  	s8 =	sadd.s32 $0xFFFFE003, lr  }
0x1b: {  	s9 =	sadd.s32 $0xFFFFFEF7, lr;
	s5 =	simm.s32 $0xFFFFFFFF;
	p2 =	slt.u32 s8, $0xFFFFF086  }
0x1c: {  	p1 =	slt.u32 s9, $0xF7A;
	s5 =	simm.s32 @!p2 $0x0  }
0x1d: {  	s5 =	simm.s32 @p1 $0x1;
	p0 =	seq.s32 s7, s2  }
0x1e: {  	s7 =	smul.u32 @!p0 $0xF7A, s2;
	p2 =	seq.s32 @!p0 s5, $0x0  }
0x1f: {  	s9 =	smul.u32 $0xF7A, s1;
	s8 =	simm.s32 @!p0 $0x1BF5;
	p2 =	por !p2, p0  }
0x20: {  	[sflag:s8] =	ssyncset.s32 @!p0 $0xFFFFF086;
	s6 =	sadd.s32 @!p0 s3, s7;
	s7 =	simm.s32 @!p0 $0x108  }
0x21: {  	s3 =	sadd.s32 s3, s9;
	s6 =	sadd.s32 @!p0 $0x88, s6;
	s7 =	simm.s32 @p2 $0x1082  }
0x22: {  	[simem:s7], [sflag:s8] =	dma.local @!p0 [hbm:s6], $0xF7A  }
0x23: {  	s9 =	sor.u32 $0xD0000000, s2;
	s6 =	simm.s32 $0x108;
	_ =	swait.ge @!p0 [sflag:s8], $0x0  }
0x24: {  	s3 =	sadd.s32 $0x88, s3;
	s6 =	simm.s32 @!p1 $0x1082;
	[sflag:s4] =	ssyncset.s32 $0xFFFFF086  }
0x25: {  	[simem:s6], [sflag:s4] =	dma.local [hbm:s3], $0xF7A  }
0x26: {  	[smem:$0x3F95] =	sst s1;
	(tag) =	ssettag s2;
	_ =	strace s9  }
0x27: {  	s1 =	sld [smem:$0x3FA5]  }
0x28: {  	s2 =	sld [smem:$0x3FA6]  }
0x29: {  	s4 =	sld [smem:$0x3FA8]  }
0x2a: {  	p0 =	seq.s32 s5, $0x0;
	s5 =	sld [smem:$0x3FA9]  }
0x2b: {  	s6 =	sld [smem:$0x3FAA]  }
0x2c: {  	s7 =	sld [smem:$0x3FAB]  }
0x2d: {  	s3 =	simm.s32 $0x108;
	s8 =	sld [smem:$0x3FAC]  }
0x2e: {  	s3 =	simm.s32 @!p0 $0x1082;
	s9 =	sld [smem:$0x3FAD]  }
0x2f: {  	lr =	sadd.s32 s0, s3;
	s0 =	sld [smem:$0x3FA4]  }
0x30: {  	s3 =	sld [smem:$0x3FA7]  }
0x31: {  	[smem:$0x3FB0] =	sst s10  }
0x32: {  	s10 =	sld [smem:$0x3FAE];
	_ =	sdelay $0x3  }
0x33: {  	p0 =	seq.s32 s10, $0x1;
	s10 =	sld [smem:$0x3FB0];
	_ =	sdelay $0x3  }
0x34: {  	[smem:$0x3FB0] =	sst s10  }
0x35: {  	s10 =	sld [smem:$0x3FAF];
	_ =	sdelay $0x3  }
0x36: {  	p1 =	seq.s32 s10, $0x1;
	s10 =	sld [smem:$0x3FB0];
	_ =	sdelay $0x3  }
0x37: {  	[smem:$0x3FB0] =	sst s10  }
0x38: {  	s10 =	sld [smem:$0x3FB1]  }
0x39: {  	_ = 	snop;
	(pc) =	sbr.ind lr, $3  }
0x3a: {  	_ = 	snop  }
0x3b: {  	_ = 	snop  }
0x3c: {  	p2 =	seq.s32 s10, $0x1;
	s10 =	sld [smem:$0x3FB0]  }
0x3d: {  	_ =	shalt  }
0x3e: {  	_ =	shalt  }
0x3f: {  	_ =	shalt  }
0x40: {  	_ =	shalt  }
0x41: {  	_ =	shalt  }
0x42: {  	_ =	shalt  }
0x43: {  	_ =	shalt  }
0x44: {  	_ =	shalt  }
0x45: {  	_ =	shalt  }
0x46: {  	_ =	shalt  }
0x47: {  	_ =	shalt  }
0x48: {  	_ =	shalt  }
0x49: {  	_ =	shalt  }
0x4a: {  	_ =	shalt  }
0x4b: {  	_ =	shalt  }
0x4c: {  	_ =	shalt  }
0x4d: {  	_ =	shalt  }
0x4e: {  	_ =	shalt  }
0x4f: {  	_ =	shalt  }
0x50: {  	_ =	shalt  }
0x51: {  	_ =	shalt  }
0x52: {  	_ =	shalt  }
0x53: {  	_ =	shalt  }
0x54: {  	_ =	shalt  }
0x55: {  	_ =	shalt  }
0x56: {  	_ =	shalt  }
0x57: {  	_ =	shalt  }
0x58: {  	_ =	shalt  }
0x59: {  	_ =	shalt  }
0x5a: {  	_ =	shalt  }
0x5b: {  	_ =	shalt  }
0x5c: {  	_ =	shalt  }
0x5d: {  	_ =	shalt  }
0x5e: {  	_ =	shalt  }
0x5f: {  	_ =	shalt  }
0x60: {  	_ =	shalt  }
0x61: {  	_ =	shalt  }
0x62: {  	_ =	shalt  }
0x63: {  	_ =	shalt  }
0x64: {  	_ =	shalt  }
0x65: {  	_ =	shalt  }
0x66: {  	_ =	shalt  }
0x67: {  	_ =	shalt  }
0x68: {  	_ =	shalt  }
0x69: {  	_ =	shalt  }
0x6a: {  	_ =	shalt  }
0x6b: {  	_ =	shalt  }
0x6c: {  	_ =	shalt  }
0x6d: {  	_ =	shalt  }
0x6e: {  	_ =	shalt  }
0x6f: {  	_ =	shalt  }
0x70: {  	_ =	shalt  }
0x71: {  	_ =	shalt  }
0x72: {  	_ =	shalt  }
0x73: {  	_ =	shalt  }
0x74: {  	_ =	shalt  }
0x75: {  	_ =	shalt  }
0x76: {  	_ =	shalt  }
0x77: {  	_ =	shalt  }
0x78: {  	_ =	shalt  }
0x79: {  	_ =	shalt  }
0x7a: {  	_ =	shalt  }
0x7b: {  	_ =	shalt  }
0x7c: {  	_ =	shalt  }
0x7d: {  	_ =	shalt  }
0x7e: {  	_ =	shalt  }
0x7f: {  	_ =	shalt  }
0x80: {  	_ =	shalt  }
0x81: {  	_ =	shalt  }
0x82: {  	_ =	shalt  }
0x83: {  	_ =	shalt  }
0x84: {  	_ =	shalt  }
0x85: {  	_ =	shalt  }
0x86: {  	_ =	shalt  }
0x87: {  	_ =	shalt  }
.Lfunc_end0:
.L_simem_size_0:
called_computation.1_lowered:
.L_overlay_start_0:
0x88: {  	s2 =	sld [smem:$0x3FD9]  }
0x89: {  	s3 =	sld [smem:$0x3FFE];
	_ =	sdelay $0x1  }
0x8a: {  	s1 =	srdreg.scid  }
0x8b: {  	s0 =	sand.u32 $0x1, s1  }
0x8c: {  	s17 =	sshll.u32 s0, $0xA;
	s2 =	sadd.s32 s3, s2  }
0x8d: {  	s2 =	sadd.s32 s2, s17  }
0x8e: {  	[smem:$0x3FBC] =	sst s2  }
0x8f: {  	_ = 	snop  }
0x90: {  	s18 =	sld [smem:$0x3FD0];
	(tm) =	ssettm $0x1  }
0x91: {  	s19 =	sld [smem:$0x3FFB];
	_ =	sdelay $0x3  }
0x92: {  	_ =	strace s19  }
0x93: {  	s2 =	sld [smem:$0x3FFC];
	_ =	sdelay $0x3  }
0x94: {  	_ =	strace s2  }
0x95: {  	s2 =	sld [smem:$0x3FFD];
	_ =	sdelay $0x3  }
0x96: {  	_ =	strace s2  }
0x97: {  	_ =	strace $0x8FFFFFFF  }
0x98: {  	s20 =	sld [smem:$0x3FDB];
	_ =	sdelay $0x1  }
0x99: {  	s4 =	simm.s32 $_scs_section_size  }
0x9a: {  	s5 =	simm.s32 $_size__tile_overlayer_lowered;
	s6 =	simm.s32 $_tile_overlayer_lowered  }
0x9b: {  	s7 =	simm.s32 $0x1BFF;
	s21 =	sshll.u32 s6, $0x1;
	s4 =	sadd.s32 s4, s20  }
0x9c: {  	s22 =	simm.s32 $0x0;
	s5 =	sshll.u32 s5, $0x1;
	s6 =	sadd.s32 s21, s4  }
0x9d: {  	[timem:s22], [sflag:s7] =	dma.local [hbm:s6], s5  }
0x9e: {  	_ =	swait.ge [sflag:s7], s5  }
0x9f: {  	s5 =	ssub.s32 $0x0, s5;
	[sflag:s7] =	ssyncset.done $0x0  }
0xa0: {  	[sflag:s7] =	ssyncadd.s32 s5;
	_ =	sdelay $0x1  }
0xa1: {  	s23 =	simm.s32 $0x1B8B  }
0xa2: {  	_ =	swait.ge [sflag:s23], $0x1  }
0xa3: {  	[sflag:s23] =	ssyncset.done $0x0  }
0xa4: {  	[sflag:s23] =	ssyncadd.s32 $0xFFFFFFFF  }
0xa5: {  	s5 =	sld [smem:$0x0]  }
0xa6: {  	s6 =	sand.u32 $0xFFFFFFFE, s1  }
0xa7: {  	p0 =	sne.s32 s1, s6  }
0xa8: {  	s6 =	sshll.u32 @p0 s6, $0xE  }
0xa9: {  	s6 =	sadd.s32 @p0 $0x11B8D, s6;
	s7 =	sshll.u32 @p0 s5, $0x11  }
0xaa: {  	s6 =	sor.u32 @p0 s7, s6  }
0xab: {  	[sflag:s6] =	ssyncadd.remote.s32 @p0 $0x1;
	_ =	sdelay $0x1  }
0xac: {  	s6 =	simm.s32 @p0 $0x1B8D  }
0xad: {  	_ =	swait.eq @p0 [sflag:s6], $0x1  }
0xae: {  	[sflag:s6] =	ssyncadd.s32 @p0 $0xFFFFFFFF  }
0xaf: {  	s7 =	sshll.u32 @!p0 s1, $0xE  }
0xb0: {  	s7 =	sor.u32 @!p0 $0x4000, s7;
	s6 =	simm.s32 @!p0 $0x1B8D  }
0xb1: {  	s5 =	sshll.u32 @!p0 s5, $0x11;
	s7 =	sadd.s32 @!p0 $0x11B8D, s7;
	_ =	swait.eq @!p0 [sflag:s6], $0x1  }
0xb2: {  	s5 =	sor.u32 @!p0 s5, s7;
	[sflag:s6] =	ssyncadd.s32 @!p0 $0xFFFFFFFF  }
0xb3: {  	s25 =	simm.s32 $0x1B8E;
	s24 =	sld [smem:$0x3FFE];
	[sflag:s5] =	ssyncadd.remote.s32 @!p0 $0x1  }
0xb4: {  	s26 =	simm.s32 $execute0_lowered;
	[smem:$0x3FD2] =	sst s25  }
0xb5: {  	s6 =	sshll.u32 s26, $0x1;
	_ =	strace $0x8000004C;
	[dreg:$0x1] =	wrdreg $0xFFFFFFFF  }
0xb6: {  	s28 =	simm.s32 $_size_execute0_lowered;
	s4 =	sadd.s32 s4, s6;
	[dreg:$0x0] =	wrdreg $0x0  }
0xb7: {  	s6 =	sshll.u32 s28, $0x1;
	[dreg:$0x2] =	wrdreg s4  }
0xb8: {  	[dreg:$0x3] =	wrdreg s6  }
0xb9: {  	[dreg:$0x4] =	wrdreg $0xC0  }
0xba: {  	_ =	task [dreg:s22], $0x5FFFF  }
0xbb: {  	[dreg:$0x1] =	wrdreg $0xFFFFFFFF  }
0xbc: {  	[dreg:$0x0] =	wrdreg $0x60  }
0xbd: {  	[dreg:$0x2] =	wrdreg s18  }
0xbe: {  	[dreg:$0x3] =	wrdreg s24  }
0xbf: {  	[dreg:$0x4] =	wrdreg $0xA  }
0xc0: {  	_ =	task.clear_ibuf [dreg:s22], $0x5FFFF;
	_ =	strace $0x9000004C  }
0xc1: {  	s29 =	simm.s32 $0xA;
	_ =	strace $0x8000004E  }
0xc2: {  	_ =	swait.ge [sflag:s29], $0x1  }
0xc3: {  	[sflag:s29] =	ssyncadd.s32 $0xFFFFFFFF  }
0xc4: {  	_ =	strace $0x9000004E  }
0xc5: {  	_ =	sfence  }
0xc6: {  	s30 =	sld [smem:$0x0];
	_ =	sdelay $0x2  }
0xc7: {  	s31 =	sshll.u32 s1, $0xD;
	s1 =	sshrl.u32 s1, $0x2  }
0xc8: {  	s4 =	sand.u32 $0x4000, s31;
	s1 =	sadd.s32 s1, s30  }
0xc9: {  	s0 =	sor.u32 s4, s0;
	s1 =	sshll.u32 s1, $0x11  }
0xca: {  	s0 =	sor.u32 s1, s0  }
0xcb: {  	s0 =	sadd.s32 $0x8F2B, s0  }
0xcc: {  	[sflag:s0] =	ssyncadd.remote.s32 $0x1  }
0xcd: {  	_ =	sfence.sel $0xFFFF  }
0xce: {  	[dreg:$0x0] =	wrdreg $0xFFFFFFFF;
	(pc) =	sbr.abs _section_cstart, $3  }
0xcf: {  	[dreg:$0x1] =	wrdreg $0xFFFFFFFF  }
0xd0: {  	_ =	task.clear_ibuf [dreg:s22], $0x2FFFF;
	_ =	strace $0x9FFFFFFF  }
0xd1: {  	(tm) =	ssettm $0x7FFFFFFF  }
tec
execute0_lowered:
.L_overlay_start_1:
0x0: {  	(tag) =	ssettag $0x1  }
0x1: {  	s1 =	srdreg.scid  }
0x2: {  	s0 =	stileid.u32;
	s6 =	sand.u32 $0x1, s1  }
0x3: {  	s2 =	rddreg [dreg:$0x0];
	s30 =	sshll.u32 s0, $0x9;
	s3 =	sshll.u32 s6, $0x8  }
0x4: {  	s8 =	rddreg [dreg:$0x1];
	s7 =	simm.s32 $0x1;
	s9 =	sor.u32 s3, s30  }
0x5: {  	s1 =	rddreg [dreg:$0x2];
	s3 =	simm.s32 $0x0;
	s4 =	sshrl.u32 s9, $0x3  }
0x6: {  	s10 =	ssub.s32 $0x2, s6;
	[smem:$0x7FF] =	sst s3;
	s4 =	sadd.s32 s4, s8  }
0x7: {  	_ =	strace $0x8000004D;
	s5 =	sadd.s32 $0x23600, s4;
	s4 =	simm.s32 $0x2  }
0x8: {  	[tilespmem:s3], [sflag:$0x2] =	stream.linear.gather [hbm4b:s5+s3], $0x100, $0x38;
	[tilespmem:$0x8100] =	vst v63  }
0x9: {  	s6 =	simm.s32 $0x100;
	s11 =	sshrl.u32 s10, $0x1;
	_ =	swait.ge [sflag:s4], $0x100  }
0xa: {  	s9 =	sshll.u32 s9, $0x4;
	s31 =	ssub.s32 s10, s11;
	[sflag:s4] =	ssyncset.done $0x0  }
0xb: {  	s8 =	sadd.s32 s9, s8;
	s9 =	smax.u32 s31, $0x1;
	[sflag:s4] =	ssyncadd.s32 $0xFFFFFF00  }
0xc: {  	[tilespmem:s6], [sflag:$0x1] =	stream.indirect.gather [hbm4b:s2+s6], $0x80, s3, s6, $0xb8;
	[tilespmem:$0x8100] =	vst v63  }
0xd: {  	p0 =	sne.s32 s9, $0x1;
	_ =	swait.ge [sflag:s7], $0x8000  }
.Ltmp0:
0xe: {  	[sflag:s7] =	ssyncset.done $0x0;
	(pc) =	sbr.rel @!p0 .LBB2_2-.Ltmp0, $4  }
0xf: {  	s8 =	sadd.s32 $0x3600, s8;
	[sflag:s7] =	ssyncadd.s32 $0xFFFF8000  }
0x10: {  	[hbm4b:s8+s3] =	stream.linear.scatter [tilespmem:s6], [sflag:$0x2], $0x8000, $0x38;
	[tilespmem:$0x8100] =	vst v63  }
0x11: {  	_ =	swait.ge [sflag:s4], $0x8000  }
0x12: {  	s9 =	sadd.s32 $0xFFFFFFFF, s9;
	[sflag:s4] =	ssyncset.done $0x0  }
.LBB2_1:
0x13: {  	p0 =	sne.s32 s9, $0x1;
	s9 =	sadd.s32 $0xFFFFFFFF, s9;
	[sflag:s4] =	ssyncadd.s32 $0xFFFF8000  }
0x14: {  	[tilespmem:s3], [sflag:$0x2] =	stream.linear.gather [hbm4b:s5+s3], $0x100, $0x38;
	[tilespmem:$0x8100] =	vst v63  }
0x15: {  	_ =	swait.ge [sflag:s4], $0x100  }
0x16: {  	[sflag:s4] =	ssyncset.done $0x0  }
0x17: {  	[sflag:s4] =	ssyncadd.s32 $0xFFFFFF00  }
0x18: {  	[tilespmem:s6], [sflag:$0x1] =	stream.indirect.gather [hbm4b:s2+s6], $0x80, s3, s6, $0xb8;
	[tilespmem:$0x8100] =	vst v63  }
0x19: {  	_ =	swait.ge [sflag:s7], $0x8000  }
.Ltmp1:
0x1a: {  	[sflag:s7] =	ssyncset.done $0x0;
	(pc) =	sbr.rel @p0 .LBB2_1-.Ltmp1, $4  }
0x1b: {  	[sflag:s7] =	ssyncadd.s32 $0xFFFF8000  }
0x1c: {  	[hbm4b:s8+s3] =	stream.linear.scatter [tilespmem:s6], [sflag:$0x2], $0x8000, $0x38;
	[tilespmem:$0x8100] =	vst v63  }
0x1d: {  	_ =	swait.ge [sflag:s4], $0x8000  }
0x1e: {  	[sflag:s4] =	ssyncset.done $0x0  }
.LBB2_2:
0x1f: {  	[sflag:s4] =	ssyncadd.s32 $0xFFFF8000  }
0x20: {  	_ =	sfence.sel $0x180000  }
0x21: {  	[bflag:$0x0] =	sbarrier.arrive $0xFFFF  }
0x22: {  	p0 =	sne.s32 s0, $0x0;
	_ =	strace $0x9000004D  }
0x23: {  	s0 =	sadd.s32 @!p0 $0x100000, s1;
	[bflag:$0x2] =	sbarrier.arrive $0xFFFF  }
0x24: {  	[sflag:s0] =	ssyncadd.tile.s32 @!p0 $0x1;
	_ =	shalt  }
.Lfunc_end2:
_tile_overlayer_lowered:
.L_overlay_start_2:
0x25: {  	(tag) =	ssettag $0x2  }
0x26: {  	s0 =	rddreg [dreg:$0x0];
	s2 =	stileid.u32  }
0x27: {  	s1 =	rddreg [dreg:$0x1];
	p0 =	sne.s32 s2, $0x0  }
0x28: {  	s3 =	rddreg [dreg:$0x2];
	[bflag:$0x3] =	sbarrier.arrive $0xFFFF;
	s2 =	simm.s32 @!p0 $0x1C02  }
0x29: {  	[timem:s3], [sflag:s2] =	dma.local @!p0 [hbm:s0], s1  }
0x2a: {  	s0 =	simm.s32 @!p0 $0x2  }
0x2b: {  	_ =	swait.ge @!p0 [sflag:s0], s1  }
0x2c: {  	s1 =	ssub.s32 @!p0 $0x0, s1;
	[sflag:s0] =	ssyncset.done @!p0 $0x0  }
0x2d: {  	[sflag:s0] =	ssyncadd.s32 @!p0 s1  }
0x2e: {  	[bflag:$0x3] =	sbarrier.arrive $0xFFFF  }
0x2f: {  	_ =	shalt  }

// kernel: kernel.18.cloned.1.call-start
scs
__scs_entry_jumppad:
0x0: {  	(pc) =	sbr.rel $0x88, $3  }
0x1: {  	(tag) =	ssettag $0x0;
	lr =	simm.s32 $0x1  }
0x2: {  	[smem:$0x3F95] =	sst lr;
	_ =	strace $0xD0000000  }
0x3: {  	_ = 	snop  }
0x4: {  	_ = 	snop  }
0x5: {  	_ = 	snop  }
0x6: {  	_ = 	snop  }
0x7: {  	_ = 	snop  }
__scs_overlays_trampoline_lowered:
0x8: {  	[smem:$0x3FA4] =	sst s0  }
0x9: {  	[smem:$0x3FA5] =	sst s1  }
0xa: {  	[smem:$0x3FA6] =	sst s2  }
0xb: {  	[smem:$0x3FA7] =	sst s3  }
0xc: {  	[smem:$0x3FA8] =	sst s4  }
0xd: {  	[smem:$0x3FA9] =	sst s5  }
0xe: {  	[smem:$0x3FAA] =	sst s6  }
0xf: {  	[smem:$0x3FAB] =	sst s7  }
0x10: {  	[smem:$0x3FAC] =	sst s8  }
0x11: {  	[smem:$0x3FAD] =	sst s9;
	s0 =	simm.s32 @!p0 $0x0  }
0x12: {  	s1 =	sld [smem:$0x3F93];
	s0 =	simm.s32 @p0 $0x1  }
0x13: {  	[smem:$0x3FAE] =	sst s0;
	s0 =	simm.s32 @!p1 $0x0  }
0x14: {  	s2 =	sld [smem:$0x3F92];
	s0 =	simm.s32 @p1 $0x1  }
0x15: {  	[smem:$0x3FAF] =	sst s0;
	s0 =	simm.s32 @!p2 $0x0  }
0x16: {  	s3 =	sld [smem:$0x3FDB];
	s0 =	simm.s32 @p2 $0x1  }
0x17: {  	s4 =	simm.s32 $0x1BF5;
	[smem:$0x3FB1] =	sst s0  }
0x18: {  	s0 =	sld [smem:$0x3F94];
	_ =	swait.ge [sflag:s4], $0x0  }
0x19: {  	s7 =	sld [smem:$0x3F95]  }
0x1a: {  	s8 =	sadd.s32 $0xFFFFE003, lr  }
0x1b: {  	s9 =	sadd.s32 $0xFFFFFEF7, lr;
	s5 =	simm.s32 $0xFFFFFFFF;
	p2 =	slt.u32 s8, $0xFFFFF086  }
0x1c: {  	p1 =	slt.u32 s9, $0xF7A;
	s5 =	simm.s32 @!p2 $0x0  }
0x1d: {  	s5 =	simm.s32 @p1 $0x1;
	p0 =	seq.s32 s7, s2  }
0x1e: {  	s7 =	smul.u32 @!p0 $0xF7A, s2;
	p2 =	seq.s32 @!p0 s5, $0x0  }
0x1f: {  	s9 =	smul.u32 $0xF7A, s1;
	s8 =	simm.s32 @!p0 $0x1BF5;
	p2 =	por !p2, p0  }
0x20: {  	[sflag:s8] =	ssyncset.s32 @!p0 $0xFFFFF086;
	s6 =	sadd.s32 @!p0 s3, s7;
	s7 =	simm.s32 @!p0 $0x108  }
0x21: {  	s3 =	sadd.s32 s3, s9;
	s6 =	sadd.s32 @!p0 $0x88, s6;
	s7 =	simm.s32 @p2 $0x1082  }
0x22: {  	[simem:s7], [sflag:s8] =	dma.local @!p0 [hbm:s6], $0xF7A  }
0x23: {  	s9 =	sor.u32 $0xD0000000, s2;
	s6 =	simm.s32 $0x108;
	_ =	swait.ge @!p0 [sflag:s8], $0x0  }
0x24: {  	s3 =	sadd.s32 $0x88, s3;
	s6 =	simm.s32 @!p1 $0x1082;
	[sflag:s4] =	ssyncset.s32 $0xFFFFF086  }
0x25: {  	[simem:s6], [sflag:s4] =	dma.local [hbm:s3], $0xF7A  }
0x26: {  	[smem:$0x3F95] =	sst s1;
	(tag) =	ssettag s2;
	_ =	strace s9  }
0x27: {  	s1 =	sld [smem:$0x3FA5]  }
0x28: {  	s2 =	sld [smem:$0x3FA6]  }
0x29: {  	s4 =	sld [smem:$0x3FA8]  }
0x2a: {  	p0 =	seq.s32 s5, $0x0;
	s5 =	sld [smem:$0x3FA9]  }
0x2b: {  	s6 =	sld [smem:$0x3FAA]  }
0x2c: {  	s7 =	sld [smem:$0x3FAB]  }
0x2d: {  	s3 =	simm.s32 $0x108;
	s8 =	sld [smem:$0x3FAC]  }
0x2e: {  	s3 =	simm.s32 @!p0 $0x1082;
	s9 =	sld [smem:$0x3FAD]  }
0x2f: {  	lr =	sadd.s32 s0, s3;
	s0 =	sld [smem:$0x3FA4]  }
0x30: {  	s3 =	sld [smem:$0x3FA7]  }
0x31: {  	[smem:$0x3FB0] =	sst s10  }
0x32: {  	s10 =	sld [smem:$0x3FAE];
	_ =	sdelay $0x3  }
0x33: {  	p0 =	seq.s32 s10, $0x1;
	s10 =	sld [smem:$0x3FB0];
	_ =	sdelay $0x3  }
0x34: {  	[smem:$0x3FB0] =	sst s10  }
0x35: {  	s10 =	sld [smem:$0x3FAF];
	_ =	sdelay $0x3  }
0x36: {  	p1 =	seq.s32 s10, $0x1;
	s10 =	sld [smem:$0x3FB0];
	_ =	sdelay $0x3  }
0x37: {  	[smem:$0x3FB0] =	sst s10  }
0x38: {  	s10 =	sld [smem:$0x3FB1]  }
0x39: {  	_ = 	snop;
	(pc) =	sbr.ind lr, $3  }
0x3a: {  	_ = 	snop  }
0x3b: {  	_ = 	snop  }
0x3c: {  	p2 =	seq.s32 s10, $0x1;
	s10 =	sld [smem:$0x3FB0]  }
0x3d: {  	_ =	shalt  }
0x3e: {  	_ =	shalt  }
0x3f: {  	_ =	shalt  }
0x40: {  	_ =	shalt  }
0x41: {  	_ =	shalt  }
0x42: {  	_ =	shalt  }
0x43: {  	_ =	shalt  }
0x44: {  	_ =	shalt  }
0x45: {  	_ =	shalt  }
0x46: {  	_ =	shalt  }
0x47: {  	_ =	shalt  }
0x48: {  	_ =	shalt  }
0x49: {  	_ =	shalt  }
0x4a: {  	_ =	shalt  }
0x4b: {  	_ =	shalt  }
0x4c: {  	_ =	shalt  }
0x4d: {  	_ =	shalt  }
0x4e: {  	_ =	shalt  }
0x4f: {  	_ =	shalt  }
0x50: {  	_ =	shalt  }
0x51: {  	_ =	shalt  }
0x52: {  	_ =	shalt  }
0x53: {  	_ =	shalt  }
0x54: {  	_ =	shalt  }
0x55: {  	_ =	shalt  }
0x56: {  	_ =	shalt  }
0x57: {  	_ =	shalt  }
0x58: {  	_ =	shalt  }
0x59: {  	_ =	shalt  }
0x5a: {  	_ =	shalt  }
0x5b: {  	_ =	shalt  }
0x5c: {  	_ =	shalt  }
0x5d: {  	_ =	shalt  }
0x5e: {  	_ =	shalt  }
0x5f: {  	_ =	shalt  }
0x60: {  	_ =	shalt  }
0x61: {  	_ =	shalt  }
0x62: {  	_ =	shalt  }
0x63: {  	_ =	shalt  }
0x64: {  	_ =	shalt  }
0x65: {  	_ =	shalt  }
0x66: {  	_ =	shalt  }
0x67: {  	_ =	shalt  }
0x68: {  	_ =	shalt  }
0x69: {  	_ =	shalt  }
0x6a: {  	_ =	shalt  }
0x6b: {  	_ =	shalt  }
0x6c: {  	_ =	shalt  }
0x6d: {  	_ =	shalt  }
0x6e: {  	_ =	shalt  }
0x6f: {  	_ =	shalt  }
0x70: {  	_ =	shalt  }
0x71: {  	_ =	shalt  }
0x72: {  	_ =	shalt  }
0x73: {  	_ =	shalt  }
0x74: {  	_ =	shalt  }
0x75: {  	_ =	shalt  }
0x76: {  	_ =	shalt  }
0x77: {  	_ =	shalt  }
0x78: {  	_ =	shalt  }
0x79: {  	_ =	shalt  }
0x7a: {  	_ =	shalt  }
0x7b: {  	_ =	shalt  }
0x7c: {  	_ =	shalt  }
0x7d: {  	_ =	shalt  }
0x7e: {  	_ =	shalt  }
0x7f: {  	_ =	shalt  }
0x80: {  	_ =	shalt  }
0x81: {  	_ =	shalt  }
0x82: {  	_ =	shalt  }
0x83: {  	_ =	shalt  }
0x84: {  	_ =	shalt  }
0x85: {  	_ =	shalt  }
0x86: {  	_ =	shalt  }
0x87: {  	_ =	shalt  }
.Lfunc_end0:
.L_simem_size_0:
called_computation.2_lowered:
.L_overlay_start_0:
0x88: {  	s2 =	sld [smem:$0x3FD9]  }
0x89: {  	s3 =	sld [smem:$0x3FFE];
	_ =	sdelay $0x1  }
0x8a: {  	s1 =	srdreg.scid  }
0x8b: {  	s0 =	sand.u32 $0x1, s1  }
0x8c: {  	s17 =	sshll.u32 s0, $0xA;
	s2 =	sadd.s32 s3, s2  }
0x8d: {  	s2 =	sadd.s32 s2, s17  }
0x8e: {  	[smem:$0x3FBC] =	sst s2  }
0x8f: {  	_ = 	snop  }
0x90: {  	s18 =	sld [smem:$0x3FC9];
	(tm) =	ssettm $0x1  }
0x91: {  	s19 =	sld [smem:$0x3FFB];
	_ =	sdelay $0x3  }
0x92: {  	_ =	strace s19  }
0x93: {  	s2 =	sld [smem:$0x3FFC];
	_ =	sdelay $0x3  }
0x94: {  	_ =	strace s2  }
0x95: {  	s2 =	sld [smem:$0x3FFD];
	_ =	sdelay $0x3  }
0x96: {  	_ =	strace s2  }
0x97: {  	_ =	strace $0x8FFFFFFF  }
0x98: {  	s20 =	sld [smem:$0x3FDB];
	_ =	sdelay $0x1  }
0x99: {  	s4 =	simm.s32 $_scs_section_size  }
0x9a: {  	s5 =	simm.s32 $_size__tile_overlayer_lowered;
	s6 =	simm.s32 $_tile_overlayer_lowered  }
0x9b: {  	s7 =	simm.s32 $0x1BFF;
	s21 =	sshll.u32 s6, $0x1;
	s4 =	sadd.s32 s4, s20  }
0x9c: {  	s22 =	simm.s32 $0x0;
	s5 =	sshll.u32 s5, $0x1;
	s6 =	sadd.s32 s21, s4  }
0x9d: {  	[timem:s22], [sflag:s7] =	dma.local [hbm:s6], s5  }
0x9e: {  	_ =	swait.ge [sflag:s7], s5  }
0x9f: {  	s5 =	ssub.s32 $0x0, s5;
	[sflag:s7] =	ssyncset.done $0x0  }
0xa0: {  	[sflag:s7] =	ssyncadd.s32 s5;
	_ =	sdelay $0x1  }
0xa1: {  	s23 =	simm.s32 $0x1B8B  }
0xa2: {  	_ =	swait.ge [sflag:s23], $0x1  }
0xa3: {  	[sflag:s23] =	ssyncset.done $0x0  }
0xa4: {  	[sflag:s23] =	ssyncadd.s32 $0xFFFFFFFF  }
0xa5: {  	s5 =	sld [smem:$0x0]  }
0xa6: {  	s6 =	sand.u32 $0xFFFFFFFE, s1  }
0xa7: {  	p0 =	sne.s32 s1, s6  }
0xa8: {  	s6 =	sshll.u32 @p0 s6, $0xE  }
0xa9: {  	s6 =	sadd.s32 @p0 $0x11B8D, s6;
	s7 =	sshll.u32 @p0 s5, $0x11  }
0xaa: {  	s6 =	sor.u32 @p0 s7, s6  }
0xab: {  	[sflag:s6] =	ssyncadd.remote.s32 @p0 $0x1;
	_ =	sdelay $0x1  }
0xac: {  	s6 =	simm.s32 @p0 $0x1B8D  }
0xad: {  	_ =	swait.eq @p0 [sflag:s6], $0x1  }
0xae: {  	[sflag:s6] =	ssyncadd.s32 @p0 $0xFFFFFFFF  }
0xaf: {  	s7 =	sshll.u32 @!p0 s1, $0xE  }
0xb0: {  	s7 =	sor.u32 @!p0 $0x4000, s7;
	s6 =	simm.s32 @!p0 $0x1B8D  }
0xb1: {  	s5 =	sshll.u32 @!p0 s5, $0x11;
	s7 =	sadd.s32 @!p0 $0x11B8D, s7;
	_ =	swait.eq @!p0 [sflag:s6], $0x1  }
0xb2: {  	s5 =	sor.u32 @!p0 s5, s7;
	[sflag:s6] =	ssyncadd.s32 @!p0 $0xFFFFFFFF  }
0xb3: {  	s25 =	simm.s32 $0x1B8E;
	s24 =	sld [smem:$0x3FFE];
	[sflag:s5] =	ssyncadd.remote.s32 @!p0 $0x1  }
0xb4: {  	s26 =	simm.s32 $execute0_lowered;
	[smem:$0x3FD2] =	sst s25  }
0xb5: {  	s6 =	sshll.u32 s26, $0x1;
	_ =	strace $0x80000049;
	[dreg:$0x1] =	wrdreg $0xFFFFFFFF  }
0xb6: {  	s28 =	simm.s32 $_size_execute0_lowered;
	s4 =	sadd.s32 s4, s6;
	[dreg:$0x0] =	wrdreg $0x0  }
0xb7: {  	s6 =	sshll.u32 s28, $0x1;
	[dreg:$0x2] =	wrdreg s4  }
0xb8: {  	[dreg:$0x3] =	wrdreg s6  }
0xb9: {  	[dreg:$0x4] =	wrdreg $0xC0  }
0xba: {  	_ =	task [dreg:s22], $0x5FFFF  }
0xbb: {  	[dreg:$0x1] =	wrdreg $0xFFFFFFFF  }
0xbc: {  	[dreg:$0x0] =	wrdreg $0x60  }
0xbd: {  	[dreg:$0x2] =	wrdreg s18  }
0xbe: {  	[dreg:$0x3] =	wrdreg s24  }
0xbf: {  	[dreg:$0x4] =	wrdreg $0x9  }
0xc0: {  	_ =	task.clear_ibuf [dreg:s22], $0x5FFFF;
	_ =	strace $0x90000049  }
0xc1: {  	s29 =	simm.s32 $0x9;
	_ =	strace $0x8000004B  }
0xc2: {  	_ =	swait.ge [sflag:s29], $0x1  }
0xc3: {  	[sflag:s29] =	ssyncadd.s32 $0xFFFFFFFF  }
0xc4: {  	_ =	strace $0x9000004B  }
0xc5: {  	_ =	sfence  }
0xc6: {  	s30 =	sld [smem:$0x0];
	_ =	sdelay $0x2  }
0xc7: {  	s31 =	sshll.u32 s1, $0xD;
	s1 =	sshrl.u32 s1, $0x2  }
0xc8: {  	s4 =	sand.u32 $0x4000, s31;
	s1 =	sadd.s32 s1, s30  }
0xc9: {  	s0 =	sor.u32 s4, s0;
	s1 =	sshll.u32 s1, $0x11  }
0xca: {  	s0 =	sor.u32 s1, s0  }
0xcb: {  	s0 =	sadd.s32 $0x8F2B, s0  }
0xcc: {  	[sflag:s0] =	ssyncadd.remote.s32 $0x1  }
0xcd: {  	_ =	sfence.sel $0xFFFF  }
0xce: {  	[dreg:$0x0] =	wrdreg $0xFFFFFFFF;
	(pc) =	sbr.abs _section_cstart, $3  }
0xcf: {  	[dreg:$0x1] =	wrdreg $0xFFFFFFFF  }
0xd0: {  	_ =	task.clear_ibuf [dreg:s22], $0x2FFFF;
	_ =	strace $0x9FFFFFFF  }
0xd1: {  	(tm) =	ssettm $0x7FFFFFFF  }
tec
execute0_lowered:
.L_overlay_start_1:
0x0: {  	(tag) =	ssettag $0x1  }
0x1: {  	s2 =	rddreg [dreg:$0x0]  }
0x2: {  	s4 =	rddreg [dreg:$0x1]  }
0x3: {  	s0 =	rddreg [dreg:$0x2];
	s1 =	stileid.u32  }
0x4: {  	s5 =	srdreg.scid;
	s3 =	simm.s32 $0x0;
	s6 =	smul.u32 $0x1200, s1  }
0x5: {  	s10 =	simm.s32 $0x0;
	s5 =	sand.u32 $0x1, s5;
	s8 =	smul.u32 $0x12000, s1  }
0x6: {  	[smem:$0x7FF] =	sst s3;
	s7 =	smul.u32 $0x900, s5;
	s9 =	ssub.s32 $0x2, s5  }
0x7: {  	_ =	strace $0x8000004A;
	s5 =	smul.u32 $0x9000, s5;
	s31 =	sshrl.u32 s9, $0x1  }
0x8: {  	s8 =	sadd.s32 s8, s4;
	s6 =	sadd.s32 s7, s6;
	s7 =	ssub.s32 s9, s31  }
0x9: {  	s5 =	sadd.s32 s5, s8;
	s8 =	simm.s32 $0x100;
	s6 =	sshrl.u32 s6, $0x3  }
0xa: {  	s9 =	simm.s32 $0x1;
	s5 =	sadd.s32 $0x26600, s5;
	s6 =	sadd.s32 s6, s4  }
0xb: {  	s4 =	smax.u32 s7, $0x1;
	s7 =	simm.s32 $0x2;
	s6 =	sadd.s32 $0x24200, s6  }
.LBB2_1:
0xc: {  	s11 =	sadd.s32 $0x0, s6  }
0xd: {  	[tilespmem:s3], [sflag:$0x2] =	stream.linear.gather [hbm4b:s11+s3], $0x100, $0x38;
	[tilespmem:$0x8100] =	vst v63  }
0xe: {  	_ =	swait.ge [sflag:s7], $0x100  }
0xf: {  	[sflag:s7] =	ssyncset.done $0x0  }
0x10: {  	[sflag:s7] =	ssyncadd.s32 $0xFFFFFF00  }
0x11: {  	[tilespmem:s8], [sflag:$0x1] =	stream.indirect.gather [hbm4b:s2+s8], $0x80, s3, s8, $0xb8;
	[tilespmem:$0x8100] =	vst v63  }
0x12: {  	_ =	swait.ge [sflag:s9], $0x8000  }
0x13: {  	[sflag:s9] =	ssyncset.done $0x0  }
0x14: {  	[sflag:s9] =	ssyncadd.s32 $0xFFFF8000  }
0x15: {  	[hbm4b:s5+s3] =	stream.linear.scatter [tilespmem:s8], [sflag:$0x2], $0x8000, $0x38;
	[tilespmem:$0x8100] =	vst v63  }
0x16: {  	s12 =	simm.s32 $0x20;
	_ =	swait.ge [sflag:s7], $0x8000  }
0x17: {  	s13 =	simm.s32 $0x40;
	s11 =	sadd.s32 $0x1000, s5;
	[sflag:s7] =	ssyncset.done $0x0  }
.LBB2_2:
0x18: {  	s14 =	sadd.s32 s12, s6  }
0x19: {  	[sflag:s7] =	ssyncadd.s32 $0xFFFF8000;
	s12 =	smov.u32 s13;
	s15 =	sadd.s32 $0x20, s13  }
0x1a: {  	[tilespmem:s3], [sflag:$0x2] =	stream.linear.gather [hbm4b:s14+s3], $0x100, $0x38;
	[tilespmem:$0x8100] =	vst v63  }
0x1b: {  	p0 =	sne.s32 s13, $0x100;
	_ =	swait.ge [sflag:s7], $0x100  }
0x1c: {  	[sflag:s7] =	ssyncset.done $0x0  }
0x1d: {  	[sflag:s7] =	ssyncadd.s32 $0xFFFFFF00  }
0x1e: {  	[tilespmem:s8], [sflag:$0x1] =	stream.indirect.gather [hbm4b:s2+s8], $0x80, s3, s8, $0xb8;
	[tilespmem:$0x8100] =	vst v63  }
0x1f: {  	_ =	swait.ge [sflag:s9], $0x8000  }
.Ltmp0:
0x20: {  	[sflag:s9] =	ssyncset.done $0x0;
	(pc) =	sbr.rel @p0 .LBB2_2-.Ltmp0, $4  }
0x21: {  	[sflag:s9] =	ssyncadd.s32 $0xFFFF8000  }
0x22: {  	[hbm4b:s11+s3] =	stream.linear.scatter [tilespmem:s8], [sflag:$0x2], $0x8000, $0x38;
	[tilespmem:$0x8100] =	vst v63  }
0x23: {  	_ =	swait.ge [sflag:s7], $0x8000  }
0x24: {  	s13 =	smov.u32 s15;
	s11 =	sadd.s32 $0x1000, s11;
	[sflag:s7] =	ssyncset.done $0x0  }
0x25: {  	s12 =	sadd.s32 s12, s6;
	[sflag:s7] =	ssyncadd.s32 $0xFFFF8000  }
0x26: {  	[tilespmem:s3], [sflag:$0x2] =	stream.linear.gather [hbm4b:s12+s3], $0x100, $0x38;
	[tilespmem:$0x8100] =	vst v63  }
0x27: {  	_ =	swait.ge [sflag:s7], $0x100  }
0x28: {  	[sflag:s7] =	ssyncset.done $0x0  }
0x29: {  	[sflag:s7] =	ssyncadd.s32 $0xFFFFFF00  }
0x2a: {  	[tilespmem:s8], [sflag:$0x1] =	stream.indirect.gather [hbm4b:s2+s8], $0x80, s3, s8, $0xb8;
	[tilespmem:$0x8100] =	vst v63  }
0x2b: {  	s10 =	sadd.s32 $0x1, s10;
	_ =	swait.ge [sflag:s9], $0x8000  }
0x2c: {  	p0 =	sne.s32 s10, s4;
	[sflag:s9] =	ssyncset.done $0x0  }
.Ltmp1:
0x2d: {  	[sflag:s9] =	ssyncadd.s32 $0xFFFF8000;
	(pc) =	sbr.rel @p0 .LBB2_1-.Ltmp1, $4  }
0x2e: {  	[hbm4b:s11+s3] =	stream.linear.scatter [tilespmem:s8], [sflag:$0x2], $0x8000, $0x38;
	[tilespmem:$0x8100] =	vst v63  }
0x2f: {  	_ =	swait.ge [sflag:s7], $0x8000  }
0x30: {  	[sflag:s7] =	ssyncset.done $0x0  }
0x31: {  	[sflag:s7] =	ssyncadd.s32 $0xFFFF8000  }
0x32: {  	_ =	sfence.sel $0x180000  }
0x33: {  	[bflag:$0x0] =	sbarrier.arrive $0xFFFF  }
0x34: {  	p0 =	sne.s32 s1, $0x0;
	_ =	strace $0x9000004A  }
0x35: {  	s0 =	sadd.s32 @!p0 $0x100000, s0;
	[bflag:$0x2] =	sbarrier.arrive $0xFFFF  }
0x36: {  	[sflag:s0] =	ssyncadd.tile.s32 @!p0 $0x1;
	_ =	shalt  }
.Lfunc_end2:
_tile_overlayer_lowered:
.L_overlay_start_2:
0x37: {  	(tag) =	ssettag $0x2  }
0x38: {  	s0 =	rddreg [dreg:$0x0];
	s2 =	stileid.u32  }
0x39: {  	s1 =	rddreg [dreg:$0x1];
	p0 =	sne.s32 s2, $0x0  }
0x3a: {  	s3 =	rddreg [dreg:$0x2];
	[bflag:$0x3] =	sbarrier.arrive $0xFFFF;
	s2 =	simm.s32 @!p0 $0x1C02  }
0x3b: {  	[timem:s3], [sflag:s2] =	dma.local @!p0 [hbm:s0], s1  }
0x3c: {  	s0 =	simm.s32 @!p0 $0x2  }
0x3d: {  	_ =	swait.ge @!p0 [sflag:s0], s1  }
0x3e: {  	s1 =	ssub.s32 @!p0 $0x0, s1;
	[sflag:s0] =	ssyncset.done @!p0 $0x0  }
0x3f: {  	[sflag:s0] =	ssyncadd.s32 @!p0 s1  }
0x40: {  	[bflag:$0x3] =	sbarrier.arrive $0xFFFF  }
0x41: {  	_ =	shalt  }

// kernel: kernel.21.cloned.1.call-start
scs
__scs_entry_jumppad:
0x0: {  	(pc) =	sbr.rel $0x88, $3  }
0x1: {  	(tag) =	ssettag $0x0;
	lr =	simm.s32 $0x1  }
0x2: {  	[smem:$0x3F95] =	sst lr;
	_ =	strace $0xD0000000  }
0x3: {  	_ = 	snop  }
0x4: {  	_ = 	snop  }
0x5: {  	_ = 	snop  }
0x6: {  	_ = 	snop  }
0x7: {  	_ = 	snop  }
__scs_overlays_trampoline_lowered:
0x8: {  	[smem:$0x3FA4] =	sst s0  }
0x9: {  	[smem:$0x3FA5] =	sst s1  }
0xa: {  	[smem:$0x3FA6] =	sst s2  }
0xb: {  	[smem:$0x3FA7] =	sst s3  }
0xc: {  	[smem:$0x3FA8] =	sst s4  }
0xd: {  	[smem:$0x3FA9] =	sst s5  }
0xe: {  	[smem:$0x3FAA] =	sst s6  }
0xf: {  	[smem:$0x3FAB] =	sst s7  }
0x10: {  	[smem:$0x3FAC] =	sst s8  }
0x11: {  	[smem:$0x3FAD] =	sst s9;
	s0 =	simm.s32 @!p0 $0x0  }
0x12: {  	s1 =	sld [smem:$0x3F93];
	s0 =	simm.s32 @p0 $0x1  }
0x13: {  	[smem:$0x3FAE] =	sst s0;
	s0 =	simm.s32 @!p1 $0x0  }
0x14: {  	s2 =	sld [smem:$0x3F92];
	s0 =	simm.s32 @p1 $0x1  }
0x15: {  	[smem:$0x3FAF] =	sst s0;
	s0 =	simm.s32 @!p2 $0x0  }
0x16: {  	s3 =	sld [smem:$0x3FDB];
	s0 =	simm.s32 @p2 $0x1  }
0x17: {  	s4 =	simm.s32 $0x1BF5;
	[smem:$0x3FB1] =	sst s0  }
0x18: {  	s0 =	sld [smem:$0x3F94];
	_ =	swait.ge [sflag:s4], $0x0  }
0x19: {  	s7 =	sld [smem:$0x3F95]  }
0x1a: {  	s8 =	sadd.s32 $0xFFFFE003, lr  }
0x1b: {  	s9 =	sadd.s32 $0xFFFFFEF7, lr;
	s5 =	simm.s32 $0xFFFFFFFF;
	p2 =	slt.u32 s8, $0xFFFFF086  }
0x1c: {  	p1 =	slt.u32 s9, $0xF7A;
	s5 =	simm.s32 @!p2 $0x0  }
0x1d: {  	s5 =	simm.s32 @p1 $0x1;
	p0 =	seq.s32 s7, s2  }
0x1e: {  	s7 =	smul.u32 @!p0 $0xF7A, s2;
	p2 =	seq.s32 @!p0 s5, $0x0  }
0x1f: {  	s9 =	smul.u32 $0xF7A, s1;
	s8 =	simm.s32 @!p0 $0x1BF5;
	p2 =	por !p2, p0  }
0x20: {  	[sflag:s8] =	ssyncset.s32 @!p0 $0xFFFFF086;
	s6 =	sadd.s32 @!p0 s3, s7;
	s7 =	simm.s32 @!p0 $0x108  }
0x21: {  	s3 =	sadd.s32 s3, s9;
	s6 =	sadd.s32 @!p0 $0x88, s6;
	s7 =	simm.s32 @p2 $0x1082  }
0x22: {  	[simem:s7], [sflag:s8] =	dma.local @!p0 [hbm:s6], $0xF7A  }
0x23: {  	s9 =	sor.u32 $0xD0000000, s2;
	s6 =	simm.s32 $0x108;
	_ =	swait.ge @!p0 [sflag:s8], $0x0  }
0x24: {  	s3 =	sadd.s32 $0x88, s3;
	s6 =	simm.s32 @!p1 $0x1082;
	[sflag:s4] =	ssyncset.s32 $0xFFFFF086  }
0x25: {  	[simem:s6], [sflag:s4] =	dma.local [hbm:s3], $0xF7A  }
0x26: {  	[smem:$0x3F95] =	sst s1;
	(tag) =	ssettag s2;
	_ =	strace s9  }
0x27: {  	s1 =	sld [smem:$0x3FA5]  }
0x28: {  	s2 =	sld [smem:$0x3FA6]  }
0x29: {  	s4 =	sld [smem:$0x3FA8]  }
0x2a: {  	p0 =	seq.s32 s5, $0x0;
	s5 =	sld [smem:$0x3FA9]  }
0x2b: {  	s6 =	sld [smem:$0x3FAA]  }
0x2c: {  	s7 =	sld [smem:$0x3FAB]  }
0x2d: {  	s3 =	simm.s32 $0x108;
	s8 =	sld [smem:$0x3FAC]  }
0x2e: {  	s3 =	simm.s32 @!p0 $0x1082;
	s9 =	sld [smem:$0x3FAD]  }
0x2f: {  	lr =	sadd.s32 s0, s3;
	s0 =	sld [smem:$0x3FA4]  }
0x30: {  	s3 =	sld [smem:$0x3FA7]  }
0x31: {  	[smem:$0x3FB0] =	sst s10  }
0x32: {  	s10 =	sld [smem:$0x3FAE];
	_ =	sdelay $0x3  }
0x33: {  	p0 =	seq.s32 s10, $0x1;
	s10 =	sld [smem:$0x3FB0];
	_ =	sdelay $0x3  }
0x34: {  	[smem:$0x3FB0] =	sst s10  }
0x35: {  	s10 =	sld [smem:$0x3FAF];
	_ =	sdelay $0x3  }
0x36: {  	p1 =	seq.s32 s10, $0x1;
	s10 =	sld [smem:$0x3FB0];
	_ =	sdelay $0x3  }
0x37: {  	[smem:$0x3FB0] =	sst s10  }
0x38: {  	s10 =	sld [smem:$0x3FB1]  }
0x39: {  	_ = 	snop;
	(pc) =	sbr.ind lr, $3  }
0x3a: {  	_ = 	snop  }
0x3b: {  	_ = 	snop  }
0x3c: {  	p2 =	seq.s32 s10, $0x1;
	s10 =	sld [smem:$0x3FB0]  }
0x3d: {  	_ =	shalt  }
0x3e: {  	_ =	shalt  }
0x3f: {  	_ =	shalt  }
0x40: {  	_ =	shalt  }
0x41: {  	_ =	shalt  }
0x42: {  	_ =	shalt  }
0x43: {  	_ =	shalt  }
0x44: {  	_ =	shalt  }
0x45: {  	_ =	shalt  }
0x46: {  	_ =	shalt  }
0x47: {  	_ =	shalt  }
0x48: {  	_ =	shalt  }
0x49: {  	_ =	shalt  }
0x4a: {  	_ =	shalt  }
0x4b: {  	_ =	shalt  }
0x4c: {  	_ =	shalt  }
0x4d: {  	_ =	shalt  }
0x4e: {  	_ =	shalt  }
0x4f: {  	_ =	shalt  }
0x50: {  	_ =	shalt  }
0x51: {  	_ =	shalt  }
0x52: {  	_ =	shalt  }
0x53: {  	_ =	shalt  }
0x54: {  	_ =	shalt  }
0x55: {  	_ =	shalt  }
0x56: {  	_ =	shalt  }
0x57: {  	_ =	shalt  }
0x58: {  	_ =	shalt  }
0x59: {  	_ =	shalt  }
0x5a: {  	_ =	shalt  }
0x5b: {  	_ =	shalt  }
0x5c: {  	_ =	shalt  }
0x5d: {  	_ =	shalt  }
0x5e: {  	_ =	shalt  }
0x5f: {  	_ =	shalt  }
0x60: {  	_ =	shalt  }
0x61: {  	_ =	shalt  }
0x62: {  	_ =	shalt  }
0x63: {  	_ =	shalt  }
0x64: {  	_ =	shalt  }
0x65: {  	_ =	shalt  }
0x66: {  	_ =	shalt  }
0x67: {  	_ =	shalt  }
0x68: {  	_ =	shalt  }
0x69: {  	_ =	shalt  }
0x6a: {  	_ =	shalt  }
0x6b: {  	_ =	shalt  }
0x6c: {  	_ =	shalt  }
0x6d: {  	_ =	shalt  }
0x6e: {  	_ =	shalt  }
0x6f: {  	_ =	shalt  }
0x70: {  	_ =	shalt  }
0x71: {  	_ =	shalt  }
0x72: {  	_ =	shalt  }
0x73: {  	_ =	shalt  }
0x74: {  	_ =	shalt  }
0x75: {  	_ =	shalt  }
0x76: {  	_ =	shalt  }
0x77: {  	_ =	shalt  }
0x78: {  	_ =	shalt  }
0x79: {  	_ =	shalt  }
0x7a: {  	_ =	shalt  }
0x7b: {  	_ =	shalt  }
0x7c: {  	_ =	shalt  }
0x7d: {  	_ =	shalt  }
0x7e: {  	_ =	shalt  }
0x7f: {  	_ =	shalt  }
0x80: {  	_ =	shalt  }
0x81: {  	_ =	shalt  }
0x82: {  	_ =	shalt  }
0x83: {  	_ =	shalt  }
0x84: {  	_ =	shalt  }
0x85: {  	_ =	shalt  }
0x86: {  	_ =	shalt  }
0x87: {  	_ =	shalt  }
.Lfunc_end0:
.L_simem_size_0:
called_computation.3_lowered:
.L_overlay_start_0:
0x88: {  	s2 =	sld [smem:$0x3FD9]  }
0x89: {  	s3 =	sld [smem:$0x3FFE];
	_ =	sdelay $0x1  }
0x8a: {  	s1 =	srdreg.scid  }
0x8b: {  	s0 =	sand.u32 $0x1, s1  }
0x8c: {  	s17 =	sshll.u32 s0, $0xA;
	s2 =	sadd.s32 s3, s2  }
0x8d: {  	s2 =	sadd.s32 s2, s17  }
0x8e: {  	[smem:$0x3FBC] =	sst s2  }
0x8f: {  	_ = 	snop  }
0x90: {  	s2 =	sld [smem:$0x3FD0];
	(tm) =	ssettm $0x1  }
0x91: {  	s18 =	sld [smem:$0x3FFB];
	_ =	sdelay $0x3  }
0x92: {  	_ =	strace s18  }
0x93: {  	s3 =	sld [smem:$0x3FFC];
	_ =	sdelay $0x3  }
0x94: {  	_ =	strace s3  }
0x95: {  	s3 =	sld [smem:$0x3FFD];
	_ =	sdelay $0x3  }
0x96: {  	_ =	strace s3  }
0x97: {  	_ =	strace $0x8FFFFFFF  }
0x98: {  	s19 =	sld [smem:$0x3FDB];
	_ =	sdelay $0x1  }
0x99: {  	s4 =	simm.s32 $_scs_section_size  }
0x9a: {  	s5 =	simm.s32 $_size__tile_overlayer_lowered;
	s6 =	simm.s32 $_tile_overlayer_lowered  }
0x9b: {  	s22 =	simm.s32 $0x1BFF;
	s21 =	sshll.u32 s6, $0x1;
	s3 =	sadd.s32 s4, s19  }
0x9c: {  	s7 =	simm.s32 $0x0;
	s20 =	sshll.u32 s5, $0x1;
	s5 =	sadd.s32 s21, s3  }
0x9d: {  	[timem:s7], [sflag:s22] =	dma.local [hbm:s5], s20  }
0x9e: {  	_ =	swait.ge [sflag:s22], s20  }
0x9f: {  	s4 =	ssub.s32 $0x0, s20;
	[sflag:s22] =	ssyncset.done $0x0  }
0xa0: {  	[sflag:s22] =	ssyncadd.s32 s4;
	_ =	sdelay $0x1  }
0xa1: {  	s23 =	simm.s32 $0x1B8B  }
0xa2: {  	_ =	swait.ge [sflag:s23], $0x1  }
0xa3: {  	[sflag:s23] =	ssyncset.done $0x0  }
0xa4: {  	s25 =	simm.s32 $0x1B8E;
	s24 =	sld [smem:$0x3FFE];
	[sflag:s23] =	ssyncadd.s32 $0xFFFFFFFF  }
0xa5: {  	s26 =	simm.s32 $execute0_lowered;
	[smem:$0x3FD2] =	sst s25  }
0xa6: {  	s5 =	sshll.u32 s26, $0x1;
	_ =	strace $0x8000004F;
	[dreg:$0x1] =	wrdreg $0xFFFFFFFF  }
0xa7: {  	s28 =	simm.s32 $_size_execute0_lowered;
	s3 =	sadd.s32 s3, s5;
	[dreg:$0x0] =	wrdreg $0x0  }
0xa8: {  	s5 =	sshll.u32 s28, $0x1;
	[dreg:$0x2] =	wrdreg s3  }
0xa9: {  	[dreg:$0x3] =	wrdreg s5  }
0xaa: {  	[dreg:$0x4] =	wrdreg $0xC0  }
0xab: {  	_ =	task [dreg:s7], $0x5FFFF  }
0xac: {  	[dreg:$0x1] =	wrdreg $0xFFFFFFFF  }
0xad: {  	[dreg:$0x0] =	wrdreg $0x60  }
0xae: {  	[dreg:$0x2] =	wrdreg s24  }
0xaf: {  	[dreg:$0x3] =	wrdreg s2  }
0xb0: {  	[dreg:$0x4] =	wrdreg $0x9  }
0xb1: {  	_ =	task.clear_ibuf [dreg:s7], $0x5FFFF;
	_ =	strace $0x9000004F  }
0xb2: {  	s29 =	simm.s32 $0x9;
	_ =	strace $0x80000051  }
0xb3: {  	_ =	swait.ge [sflag:s29], $0x1  }
0xb4: {  	[sflag:s29] =	ssyncadd.s32 $0xFFFFFFFF  }
0xb5: {  	_ =	strace $0x90000051  }
0xb6: {  	_ =	sfence  }
0xb7: {  	s30 =	sld [smem:$0x0];
	_ =	sdelay $0x2  }
0xb8: {  	s31 =	sshll.u32 s1, $0xD;
	s1 =	sshrl.u32 s1, $0x2  }
0xb9: {  	s3 =	sand.u32 $0x4000, s31;
	s1 =	sadd.s32 s1, s30  }
0xba: {  	s0 =	sor.u32 s3, s0;
	s1 =	sshll.u32 s1, $0x11  }
0xbb: {  	s0 =	sor.u32 s1, s0  }
0xbc: {  	s0 =	sadd.s32 $0x8F2B, s0  }
0xbd: {  	[sflag:s0] =	ssyncadd.remote.s32 $0x1  }
0xbe: {  	_ =	sfence.sel $0xFFFF  }
0xbf: {  	[dreg:$0x0] =	wrdreg $0xFFFFFFFF;
	(pc) =	sbr.abs _section_cstart, $3  }
0xc0: {  	[dreg:$0x1] =	wrdreg $0xFFFFFFFF  }
0xc1: {  	_ =	task.clear_ibuf [dreg:s7], $0x2FFFF;
	_ =	strace $0x9FFFFFFF  }
0xc2: {  	(tm) =	ssettm $0x7FFFFFFF  }
0xc3: {  	_ =	shalt  }
tec
execute0_lowered:
.L_overlay_start_1:
0x0: {  	(tag) =	ssettag $0x1  }
0x1: {  	s3 =	rddreg [dreg:$0x0]  }
0x2: {  	s6 =	rddreg [dreg:$0x1]  }
0x3: {  	s0 =	rddreg [dreg:$0x2];
	s1 =	stileid.u32  }
0x4: {  	s2 =	simm.s32 $0x0;
	s5 =	srdreg.scid;
	s4 =	smul.u32 $0x36000, s1  }
0x5: {  	[smem:$0x7FF] =	sst s2;
	s5 =	sand.u32 $0x1, s5;
	s7 =	smul.u32 $0x3600, s1  }
0x6: {  	_ =	strace $0x80000050;
	s8 =	ssub.s32 $0x2, s5;
	s9 =	smul.u32 $0x1B00, s5  }
0x7: {  	s5 =	smul.u32 $0x1B000, s5;
	s10 =	sadd.s32 s4, s3;
	s31 =	sshrl.u32 s8, $0x1  }
0x8: {  	s3 =	sadd.s32 $0x23A00, s3;
	s4 =	ssub.s32 s8, s31;
	s7 =	sadd.s32 s9, s7  }
0x9: {  	s5 =	sadd.s32 s5, s10;
	s8 =	simm.s32 $0x100;
	s9 =	simm.s32 $0x1  }
0xa: {  	s10 =	simm.s32 $0x0;
	s4 =	smax.u32 s4, $0x1;
	s7 =	sshrl.u32 s7, $0x3  }
0xb: {  	s5 =	sadd.s32 $0x43A00, s5;
	s6 =	sadd.s32 s7, s6;
	s7 =	simm.s32 $0x2  }
.LBB2_1:
0xc: {  	s11 =	sadd.s32 $0x0, s6  }
0xd: {  	[tilespmem:s2], [sflag:$0x2] =	stream.linear.gather [hbm4b:s11+s2], $0x100, $0x38;
	[tilespmem:$0x8100] =	vst v63  }
0xe: {  	_ =	swait.ge [sflag:s7], $0x100  }
0xf: {  	[sflag:s7] =	ssyncset.done $0x0  }
0x10: {  	[sflag:s7] =	ssyncadd.s32 $0xFFFFFF00  }
0x11: {  	[tilespmem:s8], [sflag:$0x1] =	stream.indirect.gather [hbm4b:s3+s8], $0x80, s2, s8, $0xb8;
	[tilespmem:$0x8100] =	vst v63  }
0x12: {  	_ =	swait.ge [sflag:s9], $0x8000  }
0x13: {  	[sflag:s9] =	ssyncset.done $0x0  }
0x14: {  	[sflag:s9] =	ssyncadd.s32 $0xFFFF8000  }
0x15: {  	[hbm4b:s5+s2] =	stream.linear.scatter [tilespmem:s8], [sflag:$0x2], $0x8000, $0x38;
	[tilespmem:$0x8100] =	vst v63  }
0x16: {  	s12 =	simm.s32 $0x20;
	_ =	swait.ge [sflag:s7], $0x8000  }
0x17: {  	s13 =	simm.s32 $0x40;
	s11 =	sadd.s32 $0x1000, s5;
	[sflag:s7] =	ssyncset.done $0x0  }
.LBB2_2:
0x18: {  	s14 =	sadd.s32 s12, s6  }
0x19: {  	[sflag:s7] =	ssyncadd.s32 $0xFFFF8000;
	s12 =	smov.u32 s13;
	s15 =	sadd.s32 $0x20, s13  }
0x1a: {  	[tilespmem:s2], [sflag:$0x2] =	stream.linear.gather [hbm4b:s14+s2], $0x100, $0x38;
	[tilespmem:$0x8100] =	vst v63  }
0x1b: {  	p0 =	sne.s32 s13, $0x340;
	_ =	swait.ge [sflag:s7], $0x100  }
0x1c: {  	[sflag:s7] =	ssyncset.done $0x0  }
0x1d: {  	[sflag:s7] =	ssyncadd.s32 $0xFFFFFF00  }
0x1e: {  	[tilespmem:s8], [sflag:$0x1] =	stream.indirect.gather [hbm4b:s3+s8], $0x80, s2, s8, $0xb8;
	[tilespmem:$0x8100] =	vst v63  }
0x1f: {  	_ =	swait.ge [sflag:s9], $0x8000  }
.Ltmp0:
0x20: {  	[sflag:s9] =	ssyncset.done $0x0;
	(pc) =	sbr.rel @p0 .LBB2_2-.Ltmp0, $4  }
0x21: {  	[sflag:s9] =	ssyncadd.s32 $0xFFFF8000  }
0x22: {  	[hbm4b:s11+s2] =	stream.linear.scatter [tilespmem:s8], [sflag:$0x2], $0x8000, $0x38;
	[tilespmem:$0x8100] =	vst v63  }
0x23: {  	_ =	swait.ge [sflag:s7], $0x8000  }
0x24: {  	s13 =	smov.u32 s15;
	s11 =	sadd.s32 $0x1000, s11;
	[sflag:s7] =	ssyncset.done $0x0  }
0x25: {  	s12 =	sadd.s32 s12, s6;
	[sflag:s7] =	ssyncadd.s32 $0xFFFF8000  }
0x26: {  	[tilespmem:s2], [sflag:$0x2] =	stream.linear.gather [hbm4b:s12+s2], $0x100, $0x38;
	[tilespmem:$0x8100] =	vst v63  }
0x27: {  	_ =	swait.ge [sflag:s7], $0x100  }
0x28: {  	[sflag:s7] =	ssyncset.done $0x0  }
0x29: {  	[sflag:s7] =	ssyncadd.s32 $0xFFFFFF00  }
0x2a: {  	[tilespmem:s8], [sflag:$0x1] =	stream.indirect.gather [hbm4b:s3+s8], $0x80, s2, s8, $0xb8;
	[tilespmem:$0x8100] =	vst v63  }
0x2b: {  	s10 =	sadd.s32 $0x1, s10;
	_ =	swait.ge [sflag:s9], $0x8000  }
0x2c: {  	p0 =	sne.s32 s10, s4;
	[sflag:s9] =	ssyncset.done $0x0  }
.Ltmp1:
0x2d: {  	[sflag:s9] =	ssyncadd.s32 $0xFFFF8000;
	(pc) =	sbr.rel @p0 .LBB2_1-.Ltmp1, $4  }
0x2e: {  	[hbm4b:s11+s2] =	stream.linear.scatter [tilespmem:s8], [sflag:$0x2], $0x8000, $0x38;
	[tilespmem:$0x8100] =	vst v63  }
0x2f: {  	_ =	swait.ge [sflag:s7], $0x8000  }
0x30: {  	[sflag:s7] =	ssyncset.done $0x0  }
0x31: {  	[sflag:s7] =	ssyncadd.s32 $0xFFFF8000  }
0x32: {  	_ =	sfence.sel $0x180000  }
0x33: {  	[bflag:$0x0] =	sbarrier.arrive $0xFFFF  }
0x34: {  	p0 =	sne.s32 s1, $0x0;
	_ =	strace $0x90000050  }
0x35: {  	s0 =	sadd.s32 @!p0 $0x100000, s0;
	[bflag:$0x2] =	sbarrier.arrive $0xFFFF  }
0x36: {  	[sflag:s0] =	ssyncadd.tile.s32 @!p0 $0x1;
	_ =	shalt  }
.Lfunc_end2:
_tile_overlayer_lowered:
.L_overlay_start_2:
0x37: {  	(tag) =	ssettag $0x2  }
0x38: {  	s0 =	rddreg [dreg:$0x0];
	s2 =	stileid.u32  }
0x39: {  	s1 =	rddreg [dreg:$0x1];
	p0 =	sne.s32 s2, $0x0  }
0x3a: {  	s3 =	rddreg [dreg:$0x2];
	[bflag:$0x3] =	sbarrier.arrive $0xFFFF;
	s2 =	simm.s32 @!p0 $0x1C02  }
0x3b: {  	[timem:s3], [sflag:s2] =	dma.local @!p0 [hbm:s0], s1  }
0x3c: {  	s0 =	simm.s32 @!p0 $0x2  }
0x3d: {  	_ =	swait.ge @!p0 [sflag:s0], s1  }
0x3e: {  	s1 =	ssub.s32 @!p0 $0x0, s1;
	[sflag:s0] =	ssyncset.done @!p0 $0x0  }
0x3f: {  	[sflag:s0] =	ssyncadd.s32 @!p0 s1  }
0x40: {  	[bflag:$0x3] =	sbarrier.arrive $0xFFFF  }
0x41: {  	_ =	shalt  }

</sc_bundles>
